<compile_context>
chip_gen: v7x
topology: tpu7x:2x2x1
jax: 0.10.2.dev20260603
libtpu: 0.0.44.dev20260713+nightly
codegen_flags: <defaults>
</compile_context>

<pallas_src>
import functools

import jax
import jax.numpy as jnp
from jax import lax
from jax.experimental import pallas as pl
from jax.experimental.pallas import tpu as pltpu
from jax.experimental.pallas import tpu_sc as plsc

N_NODES = 10000
HIDDEN = 128
N_EDGES = 320000
NUM_REL = 64

NUM_CORES = 2
NUM_SUBCORES = 16
NW = NUM_CORES * NUM_SUBCORES
EDGES_PER_W = N_EDGES // NW
CHUNK = 80
NCHUNK = EDGES_PER_W // CHUNK
N_SBLK = N_NODES // CHUNK
REL_PAD = NUM_REL
ZFLAT = 8000
CNT_WORDS = N_NODES * REL_PAD
CNT_PER_TILE = CNT_WORDS // NUM_SUBCORES


def _rows_body(ns_hbm, ei_hbm, out_s,
               rows0, rows1, rows2, sb0, sb1, sb2, dst_all, s_sh,
               g0, g1, g2, l0, l1, l2, p0):
    c = lax.axis_index("c")
    s = lax.axis_index("s")
    w = c * NUM_SUBCORES + s
    base = w * EDGES_PER_W
    rows = (rows0, rows1, rows2)
    srcb = (sb0, sb1, sb2)
    gsem = (g0, g1, g2)
    lsem = (l0, l1, l2)

    def dfire_body(i, carry):
        pltpu.async_copy(ei_hbm.at[pl.ds(N_EDGES + base + i * CHUNK, CHUNK)],
                         dst_all.at[i], p0)
        return carry
    lax.fori_loop(0, NCHUNK, dfire_body, 0)

    def zrow_body(i, carry):
        for j in range(HIDDEN // 16):
            rows0[i, pl.ds(j * 16, 16)] = jnp.zeros((16,), jnp.float32)
        return carry
    lax.fori_loop(0, CHUNK, zrow_body, 0)

    zcps = []
    for k in range(N_SBLK // NUM_SUBCORES):
        blk = s + NUM_SUBCORES * k
        zcps.append(pltpu.async_copy(rows0, s_sh.at[pl.ds(blk * CHUNK, CHUNK)], g0))
    blk_raw = s + NUM_SUBCORES * (N_SBLK // NUM_SUBCORES)
    blk = jnp.minimum(blk_raw, N_SBLK - 1)
    @pl.when(blk_raw < N_SBLK)
    def _():
        pltpu.async_copy(rows0, s_sh.at[pl.ds(blk * CHUNK, CHUNK)], g0).wait()
    for cp in zcps:
        cp.wait()

    def ddrain_body(i, carry):
        pltpu.make_async_copy(ei_hbm.at[pl.ds(0, CHUNK)], dst_all.at[0], p0).wait()
        return carry
    lax.fori_loop(0, NCHUNK, ddrain_body, 0)

    plsc.subcore_barrier()

    def load_src(i, b):
        return pltpu.async_copy(
            ei_hbm.at[pl.ds(base + i * CHUNK, CHUNK)], srcb[b], lsem[b])

    def fire(b):
        return pltpu.async_copy(ns_hbm.at[srcb[b]], rows[b], gsem[b])

    load_src(0, 0).wait()
    fire(0)
    load_src(1, 1).wait()
    fire(1)
    load_src(2, 2)

    def tri_body(k, carry):
        for j in range(3):
            i = 3 * k + j
            b = j
            b2 = (j + 2) % 3
            pltpu.make_async_copy(ns_hbm.at[srcb[b]], rows[b], gsem[b]).wait()
            @pl.when(i + 3 < NCHUNK)
            def _():
                load_src(i + 3, b)
            pltpu.make_async_copy(
                ei_hbm.at[pl.ds(0, CHUNK)], srcb[b2], lsem[b2]).wait()
            fire(b2)
            pltpu.sync_copy(rows[b], s_sh.at[dst_all.at[i]], add=True)
        return carry
    lax.fori_loop(0, (NCHUNK - 2) // 3, tri_body, 0)

    for i in (NCHUNK - 2, NCHUNK - 1):
        b = i % 3
        pltpu.make_async_copy(ns_hbm.at[srcb[b]], rows[b], gsem[b]).wait()
        pltpu.sync_copy(rows[b], s_sh.at[dst_all.at[i]], add=True)

    plsc.subcore_barrier()

    rcps = []
    for k in range(N_SBLK // NUM_SUBCORES):
        blk = s + NUM_SUBCORES * k
        r0 = blk * CHUNK
        rcps.append(pltpu.async_copy(
            s_sh.at[pl.ds(r0, CHUNK)], out_s.at[c, pl.ds(r0, CHUNK)], p0))
    blk_raw = s + NUM_SUBCORES * (N_SBLK // NUM_SUBCORES)
    blk = jnp.minimum(blk_raw, N_SBLK - 1)
    @pl.when(blk_raw < N_SBLK)
    def _():
        r0 = blk * CHUNK
        pltpu.async_copy(
            s_sh.at[pl.ds(r0, CHUNK)], out_s.at[c, pl.ds(r0, CHUNK)], p0).wait()
    for cp in rcps:
        cp.wait()


_sc_rows = functools.partial(
    pl.kernel,
    out_type=jax.ShapeDtypeStruct((NUM_CORES, N_NODES, HIDDEN), jnp.float32),
    mesh=plsc.VectorSubcoreMesh(core_axis_name="c", subcore_axis_name="s"),
    scratch_types=[
        pltpu.VMEM((CHUNK, HIDDEN), jnp.float32),
        pltpu.VMEM((CHUNK, HIDDEN), jnp.float32),
        pltpu.VMEM((CHUNK, HIDDEN), jnp.float32),
        pltpu.VMEM((CHUNK,), jnp.int32),
        pltpu.VMEM((CHUNK,), jnp.int32),
        pltpu.VMEM((CHUNK,), jnp.int32),
        pltpu.VMEM((NCHUNK, CHUNK), jnp.int32),
        pltpu.VMEM_SHARED((N_NODES, HIDDEN), jnp.float32),
        pltpu.SemaphoreType.DMA,
        pltpu.SemaphoreType.DMA,
        pltpu.SemaphoreType.DMA,
        pltpu.SemaphoreType.DMA,
        pltpu.SemaphoreType.DMA,
        pltpu.SemaphoreType.DMA,
        pltpu.SemaphoreType.DMA,
    ],
)(_rows_body)


def _cnt_body(ei_hbm, rel_hbm, out_c,
              dst_v, rel_v, cidx_all, ones_v, zflat, cnt_sh, ssem, p0, p1):
    c = lax.axis_index("c")
    s = lax.axis_index("s")
    w = c * NUM_SUBCORES + s
    base = w * EDGES_PER_W

    for j in range(CHUNK // 16):
        ones_v[pl.ds(j * 16, 16)] = jnp.ones((16,), jnp.float32)

    def zflat_body(i, carry):
        zflat[pl.ds(i * 16, 16)] = jnp.zeros((16,), jnp.float32)
        return carry
    lax.fori_loop(0, ZFLAT // 16, zflat_body, 0)

    zcps = []
    for k in range(CNT_PER_TILE // ZFLAT):
        zcps.append(pltpu.async_copy(
            zflat, cnt_sh.at[pl.ds(s * CNT_PER_TILE + k * ZFLAT, ZFLAT)], ssem))

    def pfire_body(i, carry):
        pltpu.async_copy(ei_hbm.at[pl.ds(N_EDGES + base + i * CHUNK, CHUNK)],
                         dst_v.at[i], p0)
        pltpu.async_copy(rel_hbm.at[pl.ds(base + i * CHUNK, CHUNK)],
                         rel_v.at[i], p1)
        return carry
    lax.fori_loop(0, NCHUNK, pfire_body, 0)

    def pdrain_body(i, carry):
        pltpu.make_async_copy(ei_hbm.at[pl.ds(0, CHUNK)], dst_v.at[0], p0).wait()
        pltpu.make_async_copy(rel_hbm.at[pl.ds(0, CHUNK)], rel_v.at[0], p1).wait()
        return carry
    lax.fori_loop(0, NCHUNK, pdrain_body, 0)
    for cp in zcps:
        cp.wait()

    plsc.subcore_barrier()

    def chunk_body(i, carry):
        for u in range(CHUNK // 16):
            d16 = dst_v[i, pl.ds(u * 16, 16)]
            r16 = rel_v[i, pl.ds(u * 16, 16)]
            r16 = jnp.minimum(jnp.maximum(r16, 0), NUM_REL - 1)
            cidx_all[i, pl.ds(u * 16, 16)] = d16 * REL_PAD + r16
        pltpu.async_copy(ones_v, cnt_sh.at[cidx_all.at[i]], ssem, add=True)
        return carry
    lax.fori_loop(0, NCHUNK, chunk_body, 0)

    def drain_body(i, carry):
        pltpu.make_async_copy(ones_v, cnt_sh.at[pl.ds(0, CHUNK)], ssem).wait()
        return carry
    lax.fori_loop(0, NCHUNK, drain_body, 0)

    plsc.subcore_barrier()

    ocp = None
    for k in range(CNT_PER_TILE // ZFLAT):
        o0 = s * CNT_PER_TILE + k * ZFLAT
        if ocp is not None:
            ocp.wait()
        pltpu.sync_copy(cnt_sh.at[pl.ds(o0, ZFLAT)], zflat)
        ocp = pltpu.async_copy(
            zflat, out_c.at[pl.ds(c * CNT_WORDS + o0, ZFLAT)], p0)
    ocp.wait()


_sc_counts = functools.partial(
    pl.kernel,
    out_type=jax.ShapeDtypeStruct((NUM_CORES * CNT_WORDS,), jnp.float32),
    mesh=plsc.VectorSubcoreMesh(core_axis_name="c", subcore_axis_name="s"),
    scratch_types=[
        pltpu.VMEM((NCHUNK, CHUNK), jnp.int32),
        pltpu.VMEM((NCHUNK, CHUNK), jnp.int32),
        pltpu.VMEM((NCHUNK, CHUNK), jnp.int32),
        pltpu.VMEM((CHUNK,), jnp.float32),
        pltpu.VMEM((ZFLAT,), jnp.float32),
        pltpu.VMEM_SHARED((CNT_WORDS,), jnp.float32),
        pltpu.SemaphoreType.DMA,
        pltpu.SemaphoreType.DMA,
        pltpu.SemaphoreType.DMA,
    ],
)(_cnt_body)


BLOCK_ROWS = 1000


def _tc_self_body(ns_ref, self_w_ref, self_b_ref, out_ref):
    out_ref[...] = lax.dot_general(ns_ref[...], self_w_ref[...],
                                   (((1,), (1,)), ((), ())),
                                   preferred_element_type=jnp.float32) \
        + self_b_ref[...]


def _tc_self(ns, self_w, self_b):
    return pl.pallas_call(
        _tc_self_body,
        grid=(N_NODES // BLOCK_ROWS,),
        in_specs=[
            pl.BlockSpec((BLOCK_ROWS, HIDDEN), lambda i: (i, 0)),
            pl.BlockSpec((HIDDEN, HIDDEN), lambda i: (0, 0)),
            pl.BlockSpec((1, HIDDEN), lambda i: (0, 0)),
        ],
        out_specs=pl.BlockSpec((BLOCK_ROWS, HIDDEN), lambda i: (i, 0)),
        out_shape=jax.ShapeDtypeStruct((N_NODES, HIDDEN), jnp.float32),
    )(ns, self_w, self_b)


def _tc_body(selfterm_ref, s2_ref, c2_ref, rel_ref, msg_w_ref, msg_b_ref,
             out_ref):
    s_tot = s2_ref[0] + s2_ref[1]
    cm = c2_ref[0] + c2_ref[1]
    deg = jnp.sum(cm, axis=1, keepdims=True)
    rel_sum = lax.dot_general(cm, rel_ref[...], (((1,), (0,)), ((), ())),
                              preferred_element_type=jnp.float32)
    numer = lax.dot_general(s_tot + rel_sum, msg_w_ref[...],
                            (((1,), (1,)), ((), ())),
                            preferred_element_type=jnp.float32)
    numer = numer + deg * msg_b_ref[...]
    agg = numer / jnp.maximum(deg, 1.0)
    out_ref[...] = selfterm_ref[...] + agg


def _tc_combine(selfterm, s2, c2, rel_emb, msg_w, msg_b):
    grid = (N_NODES // BLOCK_ROWS,)
    return pl.pallas_call(
        _tc_body,
        grid=grid,
        in_specs=[
            pl.BlockSpec((BLOCK_ROWS, HIDDEN), lambda i: (i, 0)),
            pl.BlockSpec((NUM_CORES, BLOCK_ROWS, HIDDEN), lambda i: (0, i, 0)),
            pl.BlockSpec((NUM_CORES, BLOCK_ROWS, REL_PAD), lambda i: (0, i, 0)),
            pl.BlockSpec((REL_PAD, HIDDEN), lambda i: (0, 0)),
            pl.BlockSpec((HIDDEN, HIDDEN), lambda i: (0, 0)),
            pl.BlockSpec((1, HIDDEN), lambda i: (0, 0)),
        ],
        out_specs=pl.BlockSpec((BLOCK_ROWS, HIDDEN), lambda i: (i, 0)),
        out_shape=jax.ShapeDtypeStruct((N_NODES, HIDDEN), jnp.float32),
    )(selfterm, s2, c2, rel_emb, msg_w, msg_b)


def kernel(node_states, edge_index, edge_type_ids, self_W, self_b, msg_W, msg_b, rel_emb):
    ei_flat = edge_index.reshape(2 * N_EDGES)
    s2 = _sc_rows(node_states, ei_flat)
    c2 = _sc_counts(ei_flat, edge_type_ids)
    c2 = c2.reshape(NUM_CORES, N_NODES, REL_PAD)
    selfterm = _tc_self(node_states, self_W, self_b.reshape(1, HIDDEN))
    return _tc_combine(selfterm, s2, c2, rel_emb, msg_W,
                       msg_b.reshape(1, HIDDEN))

# --- scband reference (transcript-rebuilt; emitter-appended) ---
"""Pipeline reference for scband-simple-relational-conv-53687091200301 (READ-ONLY COPY).

The authoritative reference and input builder live on the scoring server;
editing this copy changes nothing except your own understanding.
"""

import jax, jax.numpy as jnp
import numpy as np

N_NODES = 10000
N_EDGES = 320000
HIDDEN = 128
NUM_REL = 64


def setup_inputs(seed: int = 0) -> dict:
    key = jax.random.key(seed)
    k = jax.random.split(key, 8)
    node_states = jax.random.normal(k[0], (N_NODES, HIDDEN), dtype=jnp.float32)
    edge_index = jax.random.randint(k[1], (2, N_EDGES), 0, N_NODES, dtype=jnp.int64 if jax.config.jax_enable_x64 else jnp.int32).astype(jnp.int32)
    edge_type_ids = jax.random.randint(k[2], (N_EDGES,), 0, NUM_REL).astype(jnp.int32)
    # parameters (torch nn.Linear: y = x @ W.T + b, W shape [out, in])
    s = 1.0 / np.sqrt(HIDDEN)
    self_W = jax.random.uniform(k[3], (HIDDEN, HIDDEN), minval=-s, maxval=s, dtype=jnp.float32)
    self_b = jax.random.uniform(k[4], (HIDDEN,), minval=-s, maxval=s, dtype=jnp.float32)
    msg_W = jax.random.uniform(k[5], (HIDDEN, HIDDEN), minval=-s, maxval=s, dtype=jnp.float32)
    msg_b = jax.random.uniform(k[6], (HIDDEN,), minval=-s, maxval=s, dtype=jnp.float32)
    rel_emb = jax.random.normal(k[7], (NUM_REL, HIDDEN), dtype=jnp.float32)
    return {"node_states": node_states, "edge_index": edge_index, "edge_type_ids": edge_type_ids,
            "self_W": self_W, "self_b": self_b, "msg_W": msg_W, "msg_b": msg_b, "rel_emb": rel_emb}


def reference(node_states, edge_index, edge_type_ids, self_W, self_b, msg_W, msg_b, rel_emb):
    n = node_states.shape[0]
    src = edge_index[0]
    dst = edge_index[1]
    rel_ids = jnp.clip(edge_type_ids, 0, rel_emb.shape[0] - 1)
    rel_vec = jnp.take(rel_emb, rel_ids, axis=0)
    gathered = jnp.take(node_states, src, axis=0)
    msg = (gathered + rel_vec) @ msg_W.T + msg_b
    agg = jax.ops.segment_sum(msg, dst, num_segments=n)
    deg = jax.ops.segment_sum(jnp.ones((dst.shape[0], 1), dtype=node_states.dtype), dst, num_segments=n)
    agg = agg / jnp.maximum(deg, 1.0)
    out = node_states @ self_W.T + self_b + agg
    return out

if __name__ == "__main__":
    import jax
    _d = setup_inputs()
    print(jax.jit(kernel)(*tuple(_d.values())))

</pallas_src>

<mosaic_0001>
#map = affine_map<(d0, d1) -> (0)>
module attributes {stable_mosaic.version = 14 : i64} {
  func.func @_cnt_body(%arg0: i32, %arg1: i32, %arg2: memref<640000xi32, #tpu.memory_space<hbm>>, %arg3: memref<320000xi32, #tpu.memory_space<hbm>>, %arg4: memref<1280000xf32, #tpu.memory_space<hbm>>, %arg5: memref<125x80xi32, #tpu.memory_space<vmem>>, %arg6: memref<125x80xi32, #tpu.memory_space<vmem>>, %arg7: memref<125x80xi32, #tpu.memory_space<vmem>>, %arg8: memref<80xf32, #tpu.memory_space<vmem>>, %arg9: memref<8000xf32, #tpu.memory_space<vmem>>, %arg10: memref<640000xf32, #tpu.memory_space<vmem_shared>>, %arg11: memref<!tpu.dma_semaphore, #tpu.memory_space<semaphore_mem>>, %arg12: memref<!tpu.dma_semaphore, #tpu.memory_space<semaphore_mem>>, %arg13: memref<!tpu.dma_semaphore, #tpu.memory_space<semaphore_mem>>) attributes {dimension_semantics = [#tpu.dimension_semantics<core_parallel>, #tpu.dimension_semantics<subcore_parallel>], iteration_bounds = array<i64: 2, 16>, scalar_prefetch = 0 : i64, scratch_operands = 9 : i64, tpu.core_type = #tpu.core_type<sc_vector_subcore>, window_params = [{transform_indices = #map}, {transform_indices = #map}, {transform_indices = #map}]} {
    %mul3A = arith.constant 16 : i32
    %mul3A_0 = arith.muli %arg0, %mul3A : i32
    %add3A = arith.addi %mul3A_0, %arg1 : i32
    %mul3A_1 = arith.constant 10000 : i32
    %mul3A_2 = arith.muli %add3A, %mul3A_1 : i32
    %broadcast_in_dim3A = arith.constant 1.000000e+00 : f32
    %broadcast_in_dim3A_3 = vector.broadcast %broadcast_in_dim3A : f32 to vector<16xf32>
    %swap3A = arith.constant 0 : index
    %swap3A_4 = tpu.vector_load %arg8[%swap3A] {strides = array<i32>} : memref<80xf32, #tpu.memory_space<vmem>>, vector<16xf32>,
    %swap3A_5 = vector.shape_cast %swap3A_4 : vector<16xf32> to vector<16xf32>
    %swap3A_6 = vector.shape_cast %broadcast_in_dim3A_3 : vector<16xf32> to vector<16xf32>
    tpu.vector_store %arg8[%swap3A], %swap3A_6 {strides = array<i32>} : memref<80xf32, #tpu.memory_space<vmem>>, vector<16xf32>,
    %broadcast_in_dim3A_7 = arith.constant 1.000000e+00 : f32
    %broadcast_in_dim3A_8 = vector.broadcast %broadcast_in_dim3A_7 : f32 to vector<16xf32>
    %swap3A_9 = arith.constant 16 : index
    %swap3A_10 = tpu.vector_load %arg8[%swap3A_9] {strides = array<i32>} : memref<80xf32, #tpu.memory_space<vmem>>, vector<16xf32>,
    %swap3A_11 = vector.shape_cast %swap3A_10 : vector<16xf32> to vector<16xf32>
    %swap3A_12 = vector.shape_cast %broadcast_in_dim3A_8 : vector<16xf32> to vector<16xf32>
    tpu.vector_store %arg8[%swap3A_9], %swap3A_12 {strides = array<i32>} : memref<80xf32, #tpu.memory_space<vmem>>, vector<16xf32>,
    %broadcast_in_dim3A_13 = arith.constant 1.000000e+00 : f32
    %broadcast_in_dim3A_14 = vector.broadcast %broadcast_in_dim3A_13 : f32 to vector<16xf32>
    %swap3A_15 = arith.constant 32 : index
    %swap3A_16 = tpu.vector_load %arg8[%swap3A_15] {strides = array<i32>} : memref<80xf32, #tpu.memory_space<vmem>>, vector<16xf32>,
    %swap3A_17 = vector.shape_cast %swap3A_16 : vector<16xf32> to vector<16xf32>
    %swap3A_18 = vector.shape_cast %broadcast_in_dim3A_14 : vector<16xf32> to vector<16xf32>
    tpu.vector_store %arg8[%swap3A_15], %swap3A_18 {strides = array<i32>} : memref<80xf32, #tpu.memory_space<vmem>>, vector<16xf32>,
    %broadcast_in_dim3A_19 = arith.constant 1.000000e+00 : f32
    %broadcast_in_dim3A_20 = vector.broadcast %broadcast_in_dim3A_19 : f32 to vector<16xf32>
    %swap3A_21 = arith.constant 48 : index
    %swap3A_22 = tpu.vector_load %arg8[%swap3A_21] {strides = array<i32>} : memref<80xf32, #tpu.memory_space<vmem>>, vector<16xf32>,
    %swap3A_23 = vector.shape_cast %swap3A_22 : vector<16xf32> to vector<16xf32>
    %swap3A_24 = vector.shape_cast %broadcast_in_dim3A_20 : vector<16xf32> to vector<16xf32>
    tpu.vector_store %arg8[%swap3A_21], %swap3A_24 {strides = array<i32>} : memref<80xf32, #tpu.memory_space<vmem>>, vector<16xf32>,
    %broadcast_in_dim3A_25 = arith.constant 1.000000e+00 : f32
    %broadcast_in_dim3A_26 = vector.broadcast %broadcast_in_dim3A_25 : f32 to vector<16xf32>
    %swap3A_27 = arith.constant 64 : index
    %swap3A_28 = tpu.vector_load %arg8[%swap3A_27] {strides = array<i32>} : memref<80xf32, #tpu.memory_space<vmem>>, vector<16xf32>,
    %swap3A_29 = vector.shape_cast %swap3A_28 : vector<16xf32> to vector<16xf32>
    %swap3A_30 = vector.shape_cast %broadcast_in_dim3A_26 : vector<16xf32> to vector<16xf32>
    tpu.vector_store %arg8[%swap3A_27], %swap3A_30 {strides = array<i32>} : memref<80xf32, #tpu.memory_space<vmem>>, vector<16xf32>,
    %scan3A = arith.constant 0 : i32
    %scan3A_31 = arith.constant 0 : i32
    %scan3A_32 = arith.constant 500 : i32
    %scan3A_33 = arith.addi %scan3A_31, %scan3A_32 : i32
    %scan3A_34 = arith.constant 1 : i32
    scf.for %scan3A_154 = %scan3A_31 to %scan3A_33 step %scan3A_34  : i32 {
      %broadcast_in_dim3A_155 = arith.constant 0.000000e+00 : f32
      %broadcast_in_dim3A_156 = vector.broadcast %broadcast_in_dim3A_155 : f32 to vector<16xf32>
      %mul3A_157 = arith.constant 16 : i32
      %mul3A_158 = arith.muli %scan3A_154, %mul3A_157 : i32
      %swap3A_159 = arith.index_cast %mul3A_158 : i32 to index
      %swap3A_160 = tpu.vector_load %arg9[%swap3A_159] {strides = array<i32>} : memref<8000xf32, #tpu.memory_space<vmem>>, vector<16xf32>,
      %swap3A_161 = vector.shape_cast %swap3A_160 : vector<16xf32> to vector<16xf32>
      %swap3A_162 = vector.shape_cast %broadcast_in_dim3A_156 : vector<16xf32> to vector<16xf32>
      tpu.vector_store %arg9[%swap3A_159], %swap3A_162 {strides = array<i32>} : memref<8000xf32, #tpu.memory_space<vmem>>, vector<16xf32>,
    }
    %scan3A_35 = arith.constant 500 : i32
    %mul3A_36 = arith.constant 40000 : i32
    %mul3A_37 = arith.muli %arg1, %mul3A_36 : i32
    %add3A_38 = arith.constant 0 : i32
    %add3A_39 = arith.addi %mul3A_37, %add3A_38 : i32
    %dma_start3A = tpu.memref_slice %arg10[%add3A_39] : memref<640000xf32, #tpu.memory_space<vmem_shared>> -> memref<8000xf32, #tpu.memory_space<vmem_shared>>
    %dma_start3A_40 = tpu.memref_slice %arg10[%add3A_39] : memref<640000xf32, #tpu.memory_space<vmem_shared>> -> memref<8000xf32, #tpu.memory_space<vmem_shared>>
    tpu.enqueue_dma source(%arg9 : memref<8000xf32, #tpu.memory_space<vmem>>) target(%dma_start3A_40 : memref<8000xf32, #tpu.memory_space<vmem_shared>>) target_semaphore(%arg11 : memref<!tpu.dma_semaphore, #tpu.memory_space<semaphore_mem>>)
    %mul3A_41 = arith.constant 40000 : i32
    %mul3A_42 = arith.muli %arg1, %mul3A_41 : i32
    %add3A_43 = arith.constant 8000 : i32
    %add3A_44 = arith.addi %mul3A_42, %add3A_43 : i32
    %dma_start3A_45 = tpu.memref_slice %arg10[%add3A_44] : memref<640000xf32, #tpu.memory_space<vmem_shared>> -> memref<8000xf32, #tpu.memory_space<vmem_shared>>
    %dma_start3A_46 = tpu.memref_slice %arg10[%add3A_44] : memref<640000xf32, #tpu.memory_space<vmem_shared>> -> memref<8000xf32, #tpu.memory_space<vmem_shared>>
    tpu.enqueue_dma source(%arg9 : memref<8000xf32, #tpu.memory_space<vmem>>) target(%dma_start3A_46 : memref<8000xf32, #tpu.memory_space<vmem_shared>>) target_semaphore(%arg11 : memref<!tpu.dma_semaphore, #tpu.memory_space<semaphore_mem>>)
    %mul3A_47 = arith.constant 40000 : i32
    %mul3A_48 = arith.muli %arg1, %mul3A_47 : i32
    %add3A_49 = arith.constant 16000 : i32
    %add3A_50 = arith.addi %mul3A_48, %add3A_49 : i32
    %dma_start3A_51 = tpu.memref_slice %arg10[%add3A_50] : memref<640000xf32, #tpu.memory_space<vmem_shared>> -> memref<8000xf32, #tpu.memory_space<vmem_shared>>
    %dma_start3A_52 = tpu.memref_slice %arg10[%add3A_50] : memref<640000xf32, #tpu.memory_space<vmem_shared>> -> memref<8000xf32, #tpu.memory_space<vmem_shared>>
    tpu.enqueue_dma source(%arg9 : memref<8000xf32, #tpu.memory_space<vmem>>) target(%dma_start3A_52 : memref<8000xf32, #tpu.memory_space<vmem_shared>>) target_semaphore(%arg11 : memref<!tpu.dma_semaphore, #tpu.memory_space<semaphore_mem>>)
    %mul3A_53 = arith.constant 40000 : i32
    %mul3A_54 = arith.muli %arg1, %mul3A_53 : i32
    %add3A_55 = arith.constant 24000 : i32
    %add3A_56 = arith.addi %mul3A_54, %add3A_55 : i32
    %dma_start3A_57 = tpu.memref_slice %arg10[%add3A_56] : memref<640000xf32, #tpu.memory_space<vmem_shared>> -> memref<8000xf32, #tpu.memory_space<vmem_shared>>
    %dma_start3A_58 = tpu.memref_slice %arg10[%add3A_56] : memref<640000xf32, #tpu.memory_space<vmem_shared>> -> memref<8000xf32, #tpu.memory_space<vmem_shared>>
    tpu.enqueue_dma source(%arg9 : memref<8000xf32, #tpu.memory_space<vmem>>) target(%dma_start3A_58 : memref<8000xf32, #tpu.memory_space<vmem_shared>>) target_semaphore(%arg11 : memref<!tpu.dma_semaphore, #tpu.memory_space<semaphore_mem>>)
    %mul3A_59 = arith.constant 40000 : i32
    %mul3A_60 = arith.muli %arg1, %mul3A_59 : i32
    %add3A_61 = arith.constant 32000 : i32
    %add3A_62 = arith.addi %mul3A_60, %add3A_61 : i32
    %dma_start3A_63 = tpu.memref_slice %arg10[%add3A_62] : memref<640000xf32, #tpu.memory_space<vmem_shared>> -> memref<8000xf32, #tpu.memory_space<vmem_shared>>
    %dma_start3A_64 = tpu.memref_slice %arg10[%add3A_62] : memref<640000xf32, #tpu.memory_space<vmem_shared>> -> memref<8000xf32, #tpu.memory_space<vmem_shared>>
    tpu.enqueue_dma source(%arg9 : memref<8000xf32, #tpu.memory_space<vmem>>) target(%dma_start3A_64 : memref<8000xf32, #tpu.memory_space<vmem_shared>>) target_semaphore(%arg11 : memref<!tpu.dma_semaphore, #tpu.memory_space<semaphore_mem>>)
    %scan3A_65 = arith.constant 0 : i32
    %scan3A_66 = arith.constant 0 : i32
    %scan3A_67 = arith.constant 125 : i32
    %scan3A_68 = arith.addi %scan3A_66, %scan3A_67 : i32
    %scan3A_69 = arith.constant 1 : i32
    scf.for %scan3A_154 = %scan3A_66 to %scan3A_68 step %scan3A_69  : i32 {
      %add3A_155 = arith.constant 320000 : i32
      %add3A_156 = arith.addi %add3A_155, %mul3A_2 : i32
      %mul3A_157 = arith.constant 80 : i32
      %mul3A_158 = arith.muli %scan3A_154, %mul3A_157 : i32
      %add3A_159 = arith.addi %add3A_156, %mul3A_158 : i32
      %dma_start3A_160 = arith.constant 0 : i32
      %dma_start3A_161 = tpu.memref_slice %arg5[%scan3A_154, %dma_start3A_160] : memref<125x80xi32, #tpu.memory_space<vmem>> -> memref<1x80xi32, #tpu.memory_space<vmem>>
      %dma_start3A_162 = tpu.memref_squeeze %dma_start3A_161 : memref<1x80xi32, #tpu.memory_space<vmem>> -> memref<80xi32, #tpu.memory_space<vmem>>
      %dma_start3A_163 = tpu.memref_slice %arg2[%add3A_159] : memref<640000xi32, #tpu.memory_space<hbm>> -> memref<80xi32, #tpu.memory_space<hbm>>
      %dma_start3A_164 = arith.constant 0 : i32
      %dma_start3A_165 = tpu.memref_slice %arg5[%scan3A_154, %dma_start3A_164] : memref<125x80xi32, #tpu.memory_space<vmem>> -> memref<1x80xi32, #tpu.memory_space<vmem>>
      %dma_start3A_166 = tpu.memref_squeeze %dma_start3A_165 : memref<1x80xi32, #tpu.memory_space<vmem>> -> memref<80xi32, #tpu.memory_space<vmem>>
      %dma_start3A_167 = tpu.memref_slice %arg2[%add3A_159] : memref<640000xi32, #tpu.memory_space<hbm>> -> memref<80xi32, #tpu.memory_space<hbm>>
      tpu.enqueue_dma source(%dma_start3A_167 : memref<80xi32, #tpu.memory_space<hbm>>) target(%dma_start3A_166 : memref<80xi32, #tpu.memory_space<vmem>>) target_semaphore(%arg12 : memref<!tpu.dma_semaphore, #tpu.memory_space<semaphore_mem>>)
      %mul3A_168 = arith.constant 80 : i32
      %mul3A_169 = arith.muli %scan3A_154, %mul3A_168 : i32
      %add3A_170 = arith.addi %mul3A_2, %mul3A_169 : i32
      %dma_start3A_171 = arith.constant 0 : i32
      %dma_start3A_172 = tpu.memref_slice %arg6[%scan3A_154, %dma_start3A_171] : memref<125x80xi32, #tpu.memory_space<vmem>> -> memref<1x80xi32, #tpu.memory_space<vmem>>
      %dma_start3A_173 = tpu.memref_squeeze %dma_start3A_172 : memref<1x80xi32, #tpu.memory_space<vmem>> -> memref<80xi32, #tpu.memory_space<vmem>>
      %dma_start3A_174 = tpu.memref_slice %arg3[%add3A_170] : memref<320000xi32, #tpu.memory_space<hbm>> -> memref<80xi32, #tpu.memory_space<hbm>>
      %dma_start3A_175 = arith.constant 0 : i32
      %dma_start3A_176 = tpu.memref_slice %arg6[%scan3A_154, %dma_start3A_175] : memref<125x80xi32, #tpu.memory_space<vmem>> -> memref<1x80xi32, #tpu.memory_space<vmem>>
      %dma_start3A_177 = tpu.memref_squeeze %dma_start3A_176 : memref<1x80xi32, #tpu.memory_space<vmem>> -> memref<80xi32, #tpu.memory_space<vmem>>
      %dma_start3A_178 = tpu.memref_slice %arg3[%add3A_170] : memref<320000xi32, #tpu.memory_space<hbm>> -> memref<80xi32, #tpu.memory_space<hbm>>
      tpu.enqueue_dma source(%dma_start3A_178 : memref<80xi32, #tpu.memory_space<hbm>>) target(%dma_start3A_177 : memref<80xi32, #tpu.memory_space<vmem>>) target_semaphore(%arg13 : memref<!tpu.dma_semaphore, #tpu.memory_space<semaphore_mem>>)
    }
    %scan3A_70 = arith.constant 125 : i32
    %scan3A_71 = arith.constant 0 : i32
    %scan3A_72 = arith.constant 0 : i32
    %scan3A_73 = arith.constant 125 : i32
    %scan3A_74 = arith.addi %scan3A_72, %scan3A_73 : i32
    %scan3A_75 = arith.constant 1 : i32
    scf.for %scan3A_154 = %scan3A_72 to %scan3A_74 step %scan3A_75  : i32 {
      %dma_wait3A_155 = arith.constant 0 : i32
      %dma_wait3A_156 = arith.constant 0 : i32
      %dma_wait3A_157 = tpu.memref_slice %arg5[%dma_wait3A_155, %dma_wait3A_156] : memref<125x80xi32, #tpu.memory_space<vmem>> -> memref<1x80xi32, #tpu.memory_space<vmem>>
      %dma_wait3A_158 = tpu.memref_squeeze %dma_wait3A_157 : memref<1x80xi32, #tpu.memory_space<vmem>> -> memref<80xi32, #tpu.memory_space<vmem>>
      %dma_wait3A_159 = arith.constant 0 : i32
      %dma_wait3A_160 = tpu.memref_slice %arg2[%dma_wait3A_159] : memref<640000xi32, #tpu.memory_space<hbm>> -> memref<80xi32, #tpu.memory_space<hbm>>
      %dma_wait3A_161 = arith.constant 0 : i32
      %dma_wait3A_162 = tpu.memref_slice %arg5[%dma_wait3A_155, %dma_wait3A_161] : memref<125x80xi32, #tpu.memory_space<vmem>> -> memref<1x80xi32, #tpu.memory_space<vmem>>
      %dma_wait3A_163 = tpu.memref_squeeze %dma_wait3A_162 : memref<1x80xi32, #tpu.memory_space<vmem>> -> memref<80xi32, #tpu.memory_space<vmem>>
      %dma_wait3A_164 = arith.constant 0 : i32
      %dma_wait3A_165 = tpu.memref_slice %arg2[%dma_wait3A_164] : memref<640000xi32, #tpu.memory_space<hbm>> -> memref<80xi32, #tpu.memory_space<hbm>>
      tpu.wait_dma2 semaphore(%arg12 : memref<!tpu.dma_semaphore, #tpu.memory_space<semaphore_mem>>) src(%dma_wait3A_165 : memref<80xi32, #tpu.memory_space<hbm>>) dst(%dma_wait3A_163 : memref<80xi32, #tpu.memory_space<vmem>>)
      %dma_wait3A_166 = arith.constant 0 : i32
      %dma_wait3A_167 = arith.constant 0 : i32
      %dma_wait3A_168 = tpu.memref_slice %arg6[%dma_wait3A_166, %dma_wait3A_167] : memref<125x80xi32, #tpu.memory_space<vmem>> -> memref<1x80xi32, #tpu.memory_space<vmem>>
      %dma_wait3A_169 = tpu.memref_squeeze %dma_wait3A_168 : memref<1x80xi32, #tpu.memory_space<vmem>> -> memref<80xi32, #tpu.memory_space<vmem>>
      %dma_wait3A_170 = arith.constant 0 : i32
      %dma_wait3A_171 = tpu.memref_slice %arg3[%dma_wait3A_170] : memref<320000xi32, #tpu.memory_space<hbm>> -> memref<80xi32, #tpu.memory_space<hbm>>
      %dma_wait3A_172 = arith.constant 0 : i32
      %dma_wait3A_173 = tpu.memref_slice %arg6[%dma_wait3A_166, %dma_wait3A_172] : memref<125x80xi32, #tpu.memory_space<vmem>> -> memref<1x80xi32, #tpu.memory_space<vmem>>
      %dma_wait3A_174 = tpu.memref_squeeze %dma_wait3A_173 : memref<1x80xi32, #tpu.memory_space<vmem>> -> memref<80xi32, #tpu.memory_space<vmem>>
      %dma_wait3A_175 = arith.constant 0 : i32
      %dma_wait3A_176 = tpu.memref_slice %arg3[%dma_wait3A_175] : memref<320000xi32, #tpu.memory_space<hbm>> -> memref<80xi32, #tpu.memory_space<hbm>>
      tpu.wait_dma2 semaphore(%arg13 : memref<!tpu.dma_semaphore, #tpu.memory_space<semaphore_mem>>) src(%dma_wait3A_176 : memref<80xi32, #tpu.memory_space<hbm>>) dst(%dma_wait3A_174 : memref<80xi32, #tpu.memory_space<vmem>>)
    }
    %scan3A_76 = arith.constant 125 : i32
    %dma_wait3A = tpu.memref_slice %arg10[%add3A_39] : memref<640000xf32, #tpu.memory_space<vmem_shared>> -> memref<8000xf32, #tpu.memory_space<vmem_shared>>
    %dma_wait3A_77 = tpu.memref_slice %arg10[%add3A_39] : memref<640000xf32, #tpu.memory_space<vmem_shared>> -> memref<8000xf32, #tpu.memory_space<vmem_shared>>
    tpu.wait_dma2 semaphore(%arg11 : memref<!tpu.dma_semaphore, #tpu.memory_space<semaphore_mem>>) src(%arg9 : memref<8000xf32, #tpu.memory_space<vmem>>) dst(%dma_wait3A_77 : memref<8000xf32, #tpu.memory_space<vmem_shared>>)
    %dma_wait3A_78 = tpu.memref_slice %arg10[%add3A_44] : memref<640000xf32, #tpu.memory_space<vmem_shared>> -> memref<8000xf32, #tpu.memory_space<vmem_shared>>
    %dma_wait3A_79 = tpu.memref_slice %arg10[%add3A_44] : memref<640000xf32, #tpu.memory_space<vmem_shared>> -> memref<8000xf32, #tpu.memory_space<vmem_shared>>
    tpu.wait_dma2 semaphore(%arg11 : memref<!tpu.dma_semaphore, #tpu.memory_space<semaphore_mem>>) src(%arg9 : memref<8000xf32, #tpu.memory_space<vmem>>) dst(%dma_wait3A_79 : memref<8000xf32, #tpu.memory_space<vmem_shared>>)
    %dma_wait3A_80 = tpu.memref_slice %arg10[%add3A_50] : memref<640000xf32, #tpu.memory_space<vmem_shared>> -> memref<8000xf32, #tpu.memory_space<vmem_shared>>
    %dma_wait3A_81 = tpu.memref_slice %arg10[%add3A_50] : memref<640000xf32, #tpu.memory_space<vmem_shared>> -> memref<8000xf32, #tpu.memory_space<vmem_shared>>
    tpu.wait_dma2 semaphore(%arg11 : memref<!tpu.dma_semaphore, #tpu.memory_space<semaphore_mem>>) src(%arg9 : memref<8000xf32, #tpu.memory_space<vmem>>) dst(%dma_wait3A_81 : memref<8000xf32, #tpu.memory_space<vmem_shared>>)
    %dma_wait3A_82 = tpu.memref_slice %arg10[%add3A_56] : memref<640000xf32, #tpu.memory_space<vmem_shared>> -> memref<8000xf32, #tpu.memory_space<vmem_shared>>
    %dma_wait3A_83 = tpu.memref_slice %arg10[%add3A_56] : memref<640000xf32, #tpu.memory_space<vmem_shared>> -> memref<8000xf32, #tpu.memory_space<vmem_shared>>
    tpu.wait_dma2 semaphore(%arg11 : memref<!tpu.dma_semaphore, #tpu.memory_space<semaphore_mem>>) src(%arg9 : memref<8000xf32, #tpu.memory_space<vmem>>) dst(%dma_wait3A_83 : memref<8000xf32, #tpu.memory_space<vmem_shared>>)
    %dma_wait3A_84 = tpu.memref_slice %arg10[%add3A_62] : memref<640000xf32, #tpu.memory_space<vmem_shared>> -> memref<8000xf32, #tpu.memory_space<vmem_shared>>
    %dma_wait3A_85 = tpu.memref_slice %arg10[%add3A_62] : memref<640000xf32, #tpu.memory_space<vmem_shared>> -> memref<8000xf32, #tpu.memory_space<vmem_shared>>
    tpu.wait_dma2 semaphore(%arg11 : memref<!tpu.dma_semaphore, #tpu.memory_space<semaphore_mem>>) src(%arg9 : memref<8000xf32, #tpu.memory_space<vmem>>) dst(%dma_wait3A_85 : memref<8000xf32, #tpu.memory_space<vmem_shared>>)
    %barrier3A = arith.constant 0 : index
    tpu.barrier barrier_id(%barrier3A)
    %scan3A_86 = arith.constant 0 : i32
    %scan3A_87 = arith.constant 0 : i32
    %scan3A_88 = arith.constant 125 : i32
    %scan3A_89 = arith.addi %scan3A_87, %scan3A_88 : i32
    %scan3A_90 = arith.constant 1 : i32
    scf.for %scan3A_154 = %scan3A_87 to %scan3A_89 step %scan3A_90  : i32 {
      %get3A = arith.index_cast %scan3A_154 : i32 to index
      %get3A_155 = arith.constant 0 : index
      %get3A_156 = tpu.vector_load %arg5[%get3A, %get3A_155] {strides = array<i32>} : memref<125x80xi32, #tpu.memory_space<vmem>>, vector<1x16xi32>,
      %get3A_157 = vector.shape_cast %get3A_156 : vector<1x16xi32> to vector<16xi32>
      %get3A_158 = arith.index_cast %scan3A_154 : i32 to index
      %get3A_159 = arith.constant 0 : index
      %get3A_160 = tpu.vector_load %arg6[%get3A_158, %get3A_159] {strides = array<i32>} : memref<125x80xi32, #tpu.memory_space<vmem>>, vector<1x16xi32>,
      %get3A_161 = vector.shape_cast %get3A_160 : vector<1x16xi32> to vector<16xi32>
      %max3A = arith.constant 0 : i32
      %max3A_162 = vector.broadcast %max3A : i32 to vector<16xi32>
      %max3A_163 = arith.maxsi %get3A_161, %max3A_162 : vector<16xi32>
      %min3A = arith.constant 63 : i32
      %min3A_164 = vector.broadcast %min3A : i32 to vector<16xi32>
      %min3A_165 = arith.minsi %max3A_163, %min3A_164 : vector<16xi32>
      %mul3A_166 = arith.constant 64 : i32
      %mul3A_167 = vector.broadcast %mul3A_166 : i32 to vector<16xi32>
      %mul3A_168 = arith.muli %get3A_157, %mul3A_167 : vector<16xi32>
      %add3A_169 = arith.addi %mul3A_168, %min3A_165 : vector<16xi32>
      %swap3A_170 = arith.index_cast %scan3A_154 : i32 to index
      %swap3A_171 = arith.constant 0 : index
      %swap3A_172 = tpu.vector_load %arg7[%swap3A_170, %swap3A_171] {strides = array<i32>} : memref<125x80xi32, #tpu.memory_space<vmem>>, vector<1x16xi32>,
      %swap3A_173 = vector.shape_cast %swap3A_172 : vector<1x16xi32> to vector<16xi32>
      %swap3A_174 = vector.shape_cast %add3A_169 : vector<16xi32> to vector<1x16xi32>
      tpu.vector_store %arg7[%swap3A_170, %swap3A_171], %swap3A_174 {strides = array<i32>} : memref<125x80xi32, #tpu.memory_space<vmem>>, vector<1x16xi32>,
      %get3A_175 = arith.index_cast %scan3A_154 : i32 to index
      %get3A_176 = arith.constant 16 : index
      %get3A_177 = tpu.vector_load %arg5[%get3A_175, %get3A_176] {strides = array<i32>} : memref<125x80xi32, #tpu.memory_space<vmem>>, vector<1x16xi32>,
      %get3A_178 = vector.shape_cast %get3A_177 : vector<1x16xi32> to vector<16xi32>
      %get3A_179 = arith.index_cast %scan3A_154 : i32 to index
      %get3A_180 = arith.constant 16 : index
      %get3A_181 = tpu.vector_load %arg6[%get3A_179, %get3A_180] {strides = array<i32>} : memref<125x80xi32, #tpu.memory_space<vmem>>, vector<1x16xi32>,
      %get3A_182 = vector.shape_cast %get3A_181 : vector<1x16xi32> to vector<16xi32>
      %max3A_183 = arith.constant 0 : i32
      %max3A_184 = vector.broadcast %max3A_183 : i32 to vector<16xi32>
      %max3A_185 = arith.maxsi %get3A_182, %max3A_184 : vector<16xi32>
      %min3A_186 = arith.constant 63 : i32
      %min3A_187 = vector.broadcast %min3A_186 : i32 to vector<16xi32>
      %min3A_188 = arith.minsi %max3A_185, %min3A_187 : vector<16xi32>
      %mul3A_189 = arith.constant 64 : i32
      %mul3A_190 = vector.broadcast %mul3A_189 : i32 to vector<16xi32>
      %mul3A_191 = arith.muli %get3A_178, %mul3A_190 : vector<16xi32>
      %add3A_192 = arith.addi %mul3A_191, %min3A_188 : vector<16xi32>
      %swap3A_193 = arith.index_cast %scan3A_154 : i32 to index
      %swap3A_194 = arith.constant 16 : index
      %swap3A_195 = tpu.vector_load %arg7[%swap3A_193, %swap3A_194] {strides = array<i32>} : memref<125x80xi32, #tpu.memory_space<vmem>>, vector<1x16xi32>,
      %swap3A_196 = vector.shape_cast %swap3A_195 : vector<1x16xi32> to vector<16xi32>
      %swap3A_197 = vector.shape_cast %add3A_192 : vector<16xi32> to vector<1x16xi32>
      tpu.vector_store %arg7[%swap3A_193, %swap3A_194], %swap3A_197 {strides = array<i32>} : memref<125x80xi32, #tpu.memory_space<vmem>>, vector<1x16xi32>,
      %get3A_198 = arith.index_cast %scan3A_154 : i32 to index
      %get3A_199 = arith.constant 32 : index
      %get3A_200 = tpu.vector_load %arg5[%get3A_198, %get3A_199] {strides = array<i32>} : memref<125x80xi32, #tpu.memory_space<vmem>>, vector<1x16xi32>,
      %get3A_201 = vector.shape_cast %get3A_200 : vector<1x16xi32> to vector<16xi32>
      %get3A_202 = arith.index_cast %scan3A_154 : i32 to index
      %get3A_203 = arith.constant 32 : index
      %get3A_204 = tpu.vector_load %arg6[%get3A_202, %get3A_203] {strides = array<i32>} : memref<125x80xi32, #tpu.memory_space<vmem>>, vector<1x16xi32>,
      %get3A_205 = vector.shape_cast %get3A_204 : vector<1x16xi32> to vector<16xi32>
      %max3A_206 = arith.constant 0 : i32
      %max3A_207 = vector.broadcast %max3A_206 : i32 to vector<16xi32>
      %max3A_208 = arith.maxsi %get3A_205, %max3A_207 : vector<16xi32>
      %min3A_209 = arith.constant 63 : i32
      %min3A_210 = vector.broadcast %min3A_209 : i32 to vector<16xi32>
      %min3A_211 = arith.minsi %max3A_208, %min3A_210 : vector<16xi32>
      %mul3A_212 = arith.constant 64 : i32
      %mul3A_213 = vector.broadcast %mul3A_212 : i32 to vector<16xi32>
      %mul3A_214 = arith.muli %get3A_201, %mul3A_213 : vector<16xi32>
      %add3A_215 = arith.addi %mul3A_214, %min3A_211 : vector<16xi32>
      %swap3A_216 = arith.index_cast %scan3A_154 : i32 to index
      %swap3A_217 = arith.constant 32 : index
      %swap3A_218 = tpu.vector_load %arg7[%swap3A_216, %swap3A_217] {strides = array<i32>} : memref<125x80xi32, #tpu.memory_space<vmem>>, vector<1x16xi32>,
      %swap3A_219 = vector.shape_cast %swap3A_218 : vector<1x16xi32> to vector<16xi32>
      %swap3A_220 = vector.shape_cast %add3A_215 : vector<16xi32> to vector<1x16xi32>
      tpu.vector_store %arg7[%swap3A_216, %swap3A_217], %swap3A_220 {strides = array<i32>} : memref<125x80xi32, #tpu.memory_space<vmem>>, vector<1x16xi32>,
      %get3A_221 = arith.index_cast %scan3A_154 : i32 to index
      %get3A_222 = arith.constant 48 : index
      %get3A_223 = tpu.vector_load %arg5[%get3A_221, %get3A_222] {strides = array<i32>} : memref<125x80xi32, #tpu.memory_space<vmem>>, vector<1x16xi32>,
      %get3A_224 = vector.shape_cast %get3A_223 : vector<1x16xi32> to vector<16xi32>
      %get3A_225 = arith.index_cast %scan3A_154 : i32 to index
      %get3A_226 = arith.constant 48 : index
      %get3A_227 = tpu.vector_load %arg6[%get3A_225, %get3A_226] {strides = array<i32>} : memref<125x80xi32, #tpu.memory_space<vmem>>, vector<1x16xi32>,
      %get3A_228 = vector.shape_cast %get3A_227 : vector<1x16xi32> to vector<16xi32>
      %max3A_229 = arith.constant 0 : i32
      %max3A_230 = vector.broadcast %max3A_229 : i32 to vector<16xi32>
      %max3A_231 = arith.maxsi %get3A_228, %max3A_230 : vector<16xi32>
      %min3A_232 = arith.constant 63 : i32
      %min3A_233 = vector.broadcast %min3A_232 : i32 to vector<16xi32>
      %min3A_234 = arith.minsi %max3A_231, %min3A_233 : vector<16xi32>
      %mul3A_235 = arith.constant 64 : i32
      %mul3A_236 = vector.broadcast %mul3A_235 : i32 to vector<16xi32>
      %mul3A_237 = arith.muli %get3A_224, %mul3A_236 : vector<16xi32>
      %add3A_238 = arith.addi %mul3A_237, %min3A_234 : vector<16xi32>
      %swap3A_239 = arith.index_cast %scan3A_154 : i32 to index
      %swap3A_240 = arith.constant 48 : index
      %swap3A_241 = tpu.vector_load %arg7[%swap3A_239, %swap3A_240] {strides = array<i32>} : memref<125x80xi32, #tpu.memory_space<vmem>>, vector<1x16xi32>,
      %swap3A_242 = vector.shape_cast %swap3A_241 : vector<1x16xi32> to vector<16xi32>
      %swap3A_243 = vector.shape_cast %add3A_238 : vector<16xi32> to vector<1x16xi32>
      tpu.vector_store %arg7[%swap3A_239, %swap3A_240], %swap3A_243 {strides = array<i32>} : memref<125x80xi32, #tpu.memory_space<vmem>>, vector<1x16xi32>,
      %get3A_244 = arith.index_cast %scan3A_154 : i32 to index
      %get3A_245 = arith.constant 64 : index
      %get3A_246 = tpu.vector_load %arg5[%get3A_244, %get3A_245] {strides = array<i32>} : memref<125x80xi32, #tpu.memory_space<vmem>>, vector<1x16xi32>,
      %get3A_247 = vector.shape_cast %get3A_246 : vector<1x16xi32> to vector<16xi32>
      %get3A_248 = arith.index_cast %scan3A_154 : i32 to index
      %get3A_249 = arith.constant 64 : index
      %get3A_250 = tpu.vector_load %arg6[%get3A_248, %get3A_249] {strides = array<i32>} : memref<125x80xi32, #tpu.memory_space<vmem>>, vector<1x16xi32>,
      %get3A_251 = vector.shape_cast %get3A_250 : vector<1x16xi32> to vector<16xi32>
      %max3A_252 = arith.constant 0 : i32
      %max3A_253 = vector.broadcast %max3A_252 : i32 to vector<16xi32>
      %max3A_254 = arith.maxsi %get3A_251, %max3A_253 : vector<16xi32>
      %min3A_255 = arith.constant 63 : i32
      %min3A_256 = vector.broadcast %min3A_255 : i32 to vector<16xi32>
      %min3A_257 = arith.minsi %max3A_254, %min3A_256 : vector<16xi32>
      %mul3A_258 = arith.constant 64 : i32
      %mul3A_259 = vector.broadcast %mul3A_258 : i32 to vector<16xi32>
      %mul3A_260 = arith.muli %get3A_247, %mul3A_259 : vector<16xi32>
      %add3A_261 = arith.addi %mul3A_260, %min3A_257 : vector<16xi32>
      %swap3A_262 = arith.index_cast %scan3A_154 : i32 to index
      %swap3A_263 = arith.constant 64 : index
      %swap3A_264 = tpu.vector_load %arg7[%swap3A_262, %swap3A_263] {strides = array<i32>} : memref<125x80xi32, #tpu.memory_space<vmem>>, vector<1x16xi32>,
      %swap3A_265 = vector.shape_cast %swap3A_264 : vector<1x16xi32> to vector<16xi32>
      %swap3A_266 = vector.shape_cast %add3A_261 : vector<16xi32> to vector<1x16xi32>
      tpu.vector_store %arg7[%swap3A_262, %swap3A_263], %swap3A_266 {strides = array<i32>} : memref<125x80xi32, #tpu.memory_space<vmem>>, vector<1x16xi32>,
      %dma_start3A_267 = arith.constant 0 : i32
      %dma_start3A_268 = tpu.memref_slice %arg7[%scan3A_154, %dma_start3A_267] : memref<125x80xi32, #tpu.memory_space<vmem>> -> memref<1x80xi32, #tpu.memory_space<vmem>>
      %dma_start3A_269 = tpu.memref_squeeze %dma_start3A_268 : memref<1x80xi32, #tpu.memory_space<vmem>> -> memref<80xi32, #tpu.memory_space<vmem>>
      %dma_start3A_270 = arith.constant 0 : i32
      %dma_start3A_271 = tpu.memref_slice %arg10[%dma_start3A_270] : memref<640000xf32, #tpu.memory_space<vmem_shared>> -> memref<640000xf32, #tpu.memory_space<vmem_shared>>
      tpu.enqueue_indirect_dma source(%arg8 : memref<80xf32, #tpu.memory_space<vmem>>) target(%dma_start3A_271 : memref<640000xf32, #tpu.memory_space<vmem_shared>>) offsets(%dma_start3A_269 : memref<80xi32, #tpu.memory_space<vmem>>) semaphore(%arg11 : memref<!tpu.dma_semaphore, #tpu.memory_space<semaphore_mem>>) {add = true}
    }
    %scan3A_91 = arith.constant 125 : i32
    %scan3A_92 = arith.constant 0 : i32
    %scan3A_93 = arith.constant 0 : i32
    %scan3A_94 = arith.constant 125 : i32
    %scan3A_95 = arith.addi %scan3A_93, %scan3A_94 : i32
    %scan3A_96 = arith.constant 1 : i32
    scf.for %scan3A_154 = %scan3A_93 to %scan3A_95 step %scan3A_96  : i32 {
      %dma_wait3A_155 = arith.constant 0 : i32
      %dma_wait3A_156 = tpu.memref_slice %arg10[%dma_wait3A_155] : memref<640000xf32, #tpu.memory_space<vmem_shared>> -> memref<80xf32, #tpu.memory_space<vmem_shared>>
      %dma_wait3A_157 = arith.constant 0 : i32
      %dma_wait3A_158 = tpu.memref_slice %arg10[%dma_wait3A_157] : memref<640000xf32, #tpu.memory_space<vmem_shared>> -> memref<80xf32, #tpu.memory_space<vmem_shared>>
      tpu.wait_dma2 semaphore(%arg11 : memref<!tpu.dma_semaphore, #tpu.memory_space<semaphore_mem>>) src(%arg8 : memref<80xf32, #tpu.memory_space<vmem>>) dst(%dma_wait3A_158 : memref<80xf32, #tpu.memory_space<vmem_shared>>)
    }
    %scan3A_97 = arith.constant 125 : i32
    %barrier3A_98 = arith.constant 0 : index
    tpu.barrier barrier_id(%barrier3A_98)
    %mul3A_99 = arith.constant 40000 : i32
    %mul3A_100 = arith.muli %arg1, %mul3A_99 : i32
    %add3A_101 = arith.constant 0 : i32
    %add3A_102 = arith.addi %mul3A_100, %add3A_101 : i32
    "tpu.region"() ({
      %run_scoped3A = tpu.sem_alloc : memref<!tpu.dma_semaphore, #tpu.memory_space<semaphore_mem>>
      %dma_start3A_154 = tpu.memref_slice %arg10[%add3A_102] : memref<640000xf32, #tpu.memory_space<vmem_shared>> -> memref<8000xf32, #tpu.memory_space<vmem_shared>>
      %dma_start3A_155 = tpu.memref_slice %arg10[%add3A_102] : memref<640000xf32, #tpu.memory_space<vmem_shared>> -> memref<8000xf32, #tpu.memory_space<vmem_shared>>
      tpu.enqueue_dma source(%dma_start3A_155 : memref<8000xf32, #tpu.memory_space<vmem_shared>>) target(%arg9 : memref<8000xf32, #tpu.memory_space<vmem>>) target_semaphore(%run_scoped3A : memref<!tpu.dma_semaphore, #tpu.memory_space<semaphore_mem>>)
      %dma_wait3A_156 = tpu.memref_slice %arg10[%add3A_102] : memref<640000xf32, #tpu.memory_space<vmem_shared>> -> memref<8000xf32, #tpu.memory_space<vmem_shared>>
      %dma_wait3A_157 = tpu.memref_slice %arg10[%add3A_102] : memref<640000xf32, #tpu.memory_space<vmem_shared>> -> memref<8000xf32, #tpu.memory_space<vmem_shared>>
      tpu.wait_dma2 semaphore(%run_scoped3A : memref<!tpu.dma_semaphore, #tpu.memory_space<semaphore_mem>>) src(%dma_wait3A_157 : memref<8000xf32, #tpu.memory_space<vmem_shared>>) dst(%arg9 : memref<8000xf32, #tpu.memory_space<vmem>>)
      tpu.yield
    }) : () -> ()
    %mul3A_103 = arith.constant 640000 : i32
    %mul3A_104 = arith.muli %arg0, %mul3A_103 : i32
    %add3A_105 = arith.addi %mul3A_104, %add3A_102 : i32
    %dma_start3A_106 = tpu.memref_slice %arg4[%add3A_105] : memref<1280000xf32, #tpu.memory_space<hbm>> -> memref<8000xf32, #tpu.memory_space<hbm>>
    %dma_start3A_107 = tpu.memref_slice %arg4[%add3A_105] : memref<1280000xf32, #tpu.memory_space<hbm>> -> memref<8000xf32, #tpu.memory_space<hbm>>
    tpu.enqueue_dma source(%arg9 : memref<8000xf32, #tpu.memory_space<vmem>>) target(%dma_start3A_107 : memref<8000xf32, #tpu.memory_space<hbm>>) target_semaphore(%arg12 : memref<!tpu.dma_semaphore, #tpu.memory_space<semaphore_mem>>)
    %mul3A_108 = arith.constant 40000 : i32
    %mul3A_109 = arith.muli %arg1, %mul3A_108 : i32
    %add3A_110 = arith.constant 8000 : i32
    %add3A_111 = arith.addi %mul3A_109, %add3A_110 : i32
    %dma_wait3A_112 = tpu.memref_slice %arg4[%add3A_105] : memref<1280000xf32, #tpu.memory_space<hbm>> -> memref<8000xf32, #tpu.memory_space<hbm>>
    %dma_wait3A_113 = tpu.memref_slice %arg4[%add3A_105] : memref<1280000xf32, #tpu.memory_space<hbm>> -> memref<8000xf32, #tpu.memory_space<hbm>>
    tpu.wait_dma2 semaphore(%arg12 : memref<!tpu.dma_semaphore, #tpu.memory_space<semaphore_mem>>) src(%arg9 : memref<8000xf32, #tpu.memory_space<vmem>>) dst(%dma_wait3A_113 : memref<8000xf32, #tpu.memory_space<hbm>>)
    "tpu.region"() ({
      %run_scoped3A = tpu.sem_alloc : memref<!tpu.dma_semaphore, #tpu.memory_space<semaphore_mem>>
      %dma_start3A_154 = tpu.memref_slice %arg10[%add3A_111] : memref<640000xf32, #tpu.memory_space<vmem_shared>> -> memref<8000xf32, #tpu.memory_space<vmem_shared>>
      %dma_start3A_155 = tpu.memref_slice %arg10[%add3A_111] : memref<640000xf32, #tpu.memory_space<vmem_shared>> -> memref<8000xf32, #tpu.memory_space<vmem_shared>>
      tpu.enqueue_dma source(%dma_start3A_155 : memref<8000xf32, #tpu.memory_space<vmem_shared>>) target(%arg9 : memref<8000xf32, #tpu.memory_space<vmem>>) target_semaphore(%run_scoped3A : memref<!tpu.dma_semaphore, #tpu.memory_space<semaphore_mem>>)
      %dma_wait3A_156 = tpu.memref_slice %arg10[%add3A_111] : memref<640000xf32, #tpu.memory_space<vmem_shared>> -> memref<8000xf32, #tpu.memory_space<vmem_shared>>
      %dma_wait3A_157 = tpu.memref_slice %arg10[%add3A_111] : memref<640000xf32, #tpu.memory_space<vmem_shared>> -> memref<8000xf32, #tpu.memory_space<vmem_shared>>
      tpu.wait_dma2 semaphore(%run_scoped3A : memref<!tpu.dma_semaphore, #tpu.memory_space<semaphore_mem>>) src(%dma_wait3A_157 : memref<8000xf32, #tpu.memory_space<vmem_shared>>) dst(%arg9 : memref<8000xf32, #tpu.memory_space<vmem>>)
      tpu.yield
    }) : () -> ()
    %mul3A_114 = arith.constant 640000 : i32
    %mul3A_115 = arith.muli %arg0, %mul3A_114 : i32
    %add3A_116 = arith.addi %mul3A_115, %add3A_111 : i32
    %dma_start3A_117 = tpu.memref_slice %arg4[%add3A_116] : memref<1280000xf32, #tpu.memory_space<hbm>> -> memref<8000xf32, #tpu.memory_space<hbm>>
    %dma_start3A_118 = tpu.memref_slice %arg4[%add3A_116] : memref<1280000xf32, #tpu.memory_space<hbm>> -> memref<8000xf32, #tpu.memory_space<hbm>>
    tpu.enqueue_dma source(%arg9 : memref<8000xf32, #tpu.memory_space<vmem>>) target(%dma_start3A_118 : memref<8000xf32, #tpu.memory_space<hbm>>) target_semaphore(%arg12 : memref<!tpu.dma_semaphore, #tpu.memory_space<semaphore_mem>>)
    %mul3A_119 = arith.constant 40000 : i32
    %mul3A_120 = arith.muli %arg1, %mul3A_119 : i32
    %add3A_121 = arith.constant 16000 : i32
    %add3A_122 = arith.addi %mul3A_120, %add3A_121 : i32
    %dma_wait3A_123 = tpu.memref_slice %arg4[%add3A_116] : memref<1280000xf32, #tpu.memory_space<hbm>> -> memref<8000xf32, #tpu.memory_space<hbm>>
    %dma_wait3A_124 = tpu.memref_slice %arg4[%add3A_116] : memref<1280000xf32, #tpu.memory_space<hbm>> -> memref<8000xf32, #tpu.memory_space<hbm>>
    tpu.wait_dma2 semaphore(%arg12 : memref<!tpu.dma_semaphore, #tpu.memory_space<semaphore_mem>>) src(%arg9 : memref<8000xf32, #tpu.memory_space<vmem>>) dst(%dma_wait3A_124 : memref<8000xf32, #tpu.memory_space<hbm>>)
    "tpu.region"() ({
      %run_scoped3A = tpu.sem_alloc : memref<!tpu.dma_semaphore, #tpu.memory_space<semaphore_mem>>
      %dma_start3A_154 = tpu.memref_slice %arg10[%add3A_122] : memref<640000xf32, #tpu.memory_space<vmem_shared>> -> memref<8000xf32, #tpu.memory_space<vmem_shared>>
      %dma_start3A_155 = tpu.memref_slice %arg10[%add3A_122] : memref<640000xf32, #tpu.memory_space<vmem_shared>> -> memref<8000xf32, #tpu.memory_space<vmem_shared>>
      tpu.enqueue_dma source(%dma_start3A_155 : memref<8000xf32, #tpu.memory_space<vmem_shared>>) target(%arg9 : memref<8000xf32, #tpu.memory_space<vmem>>) target_semaphore(%run_scoped3A : memref<!tpu.dma_semaphore, #tpu.memory_space<semaphore_mem>>)
      %dma_wait3A_156 = tpu.memref_slice %arg10[%add3A_122] : memref<640000xf32, #tpu.memory_space<vmem_shared>> -> memref<8000xf32, #tpu.memory_space<vmem_shared>>
      %dma_wait3A_157 = tpu.memref_slice %arg10[%add3A_122] : memref<640000xf32, #tpu.memory_space<vmem_shared>> -> memref<8000xf32, #tpu.memory_space<vmem_shared>>
      tpu.wait_dma2 semaphore(%run_scoped3A : memref<!tpu.dma_semaphore, #tpu.memory_space<semaphore_mem>>) src(%dma_wait3A_157 : memref<8000xf32, #tpu.memory_space<vmem_shared>>) dst(%arg9 : memref<8000xf32, #tpu.memory_space<vmem>>)
      tpu.yield
    }) : () -> ()
    %mul3A_125 = arith.constant 640000 : i32
    %mul3A_126 = arith.muli %arg0, %mul3A_125 : i32
    %add3A_127 = arith.addi %mul3A_126, %add3A_122 : i32
    %dma_start3A_128 = tpu.memref_slice %arg4[%add3A_127] : memref<1280000xf32, #tpu.memory_space<hbm>> -> memref<8000xf32, #tpu.memory_space<hbm>>
    %dma_start3A_129 = tpu.memref_slice %arg4[%add3A_127] : memref<1280000xf32, #tpu.memory_space<hbm>> -> memref<8000xf32, #tpu.memory_space<hbm>>
    tpu.enqueue_dma source(%arg9 : memref<8000xf32, #tpu.memory_space<vmem>>) target(%dma_start3A_129 : memref<8000xf32, #tpu.memory_space<hbm>>) target_semaphore(%arg12 : memref<!tpu.dma_semaphore, #tpu.memory_space<semaphore_mem>>)
    %mul3A_130 = arith.constant 40000 : i32
    %mul3A_131 = arith.muli %arg1, %mul3A_130 : i32
    %add3A_132 = arith.constant 24000 : i32
    %add3A_133 = arith.addi %mul3A_131, %add3A_132 : i32
    %dma_wait3A_134 = tpu.memref_slice %arg4[%add3A_127] : memref<1280000xf32, #tpu.memory_space<hbm>> -> memref<8000xf32, #tpu.memory_space<hbm>>
    %dma_wait3A_135 = tpu.memref_slice %arg4[%add3A_127] : memref<1280000xf32, #tpu.memory_space<hbm>> -> memref<8000xf32, #tpu.memory_space<hbm>>
    tpu.wait_dma2 semaphore(%arg12 : memref<!tpu.dma_semaphore, #tpu.memory_space<semaphore_mem>>) src(%arg9 : memref<8000xf32, #tpu.memory_space<vmem>>) dst(%dma_wait3A_135 : memref<8000xf32, #tpu.memory_space<hbm>>)
    "tpu.region"() ({
      %run_scoped3A = tpu.sem_alloc : memref<!tpu.dma_semaphore, #tpu.memory_space<semaphore_mem>>
      %dma_start3A_154 = tpu.memref_slice %arg10[%add3A_133] : memref<640000xf32, #tpu.memory_space<vmem_shared>> -> memref<8000xf32, #tpu.memory_space<vmem_shared>>
      %dma_start3A_155 = tpu.memref_slice %arg10[%add3A_133] : memref<640000xf32, #tpu.memory_space<vmem_shared>> -> memref<8000xf32, #tpu.memory_space<vmem_shared>>
      tpu.enqueue_dma source(%dma_start3A_155 : memref<8000xf32, #tpu.memory_space<vmem_shared>>) target(%arg9 : memref<8000xf32, #tpu.memory_space<vmem>>) target_semaphore(%run_scoped3A : memref<!tpu.dma_semaphore, #tpu.memory_space<semaphore_mem>>)
      %dma_wait3A_156 = tpu.memref_slice %arg10[%add3A_133] : memref<640000xf32, #tpu.memory_space<vmem_shared>> -> memref<8000xf32, #tpu.memory_space<vmem_shared>>
      %dma_wait3A_157 = tpu.memref_slice %arg10[%add3A_133] : memref<640000xf32, #tpu.memory_space<vmem_shared>> -> memref<8000xf32, #tpu.memory_space<vmem_shared>>
      tpu.wait_dma2 semaphore(%run_scoped3A : memref<!tpu.dma_semaphore, #tpu.memory_space<semaphore_mem>>) src(%dma_wait3A_157 : memref<8000xf32, #tpu.memory_space<vmem_shared>>) dst(%arg9 : memref<8000xf32, #tpu.memory_space<vmem>>)
      tpu.yield
    }) : () -> ()
    %mul3A_136 = arith.constant 640000 : i32
    %mul3A_137 = arith.muli %arg0, %mul3A_136 : i32
    %add3A_138 = arith.addi %mul3A_137, %add3A_133 : i32
    %dma_start3A_139 = tpu.memref_slice %arg4[%add3A_138] : memref<1280000xf32, #tpu.memory_space<hbm>> -> memref<8000xf32, #tpu.memory_space<hbm>>
    %dma_start3A_140 = tpu.memref_slice %arg4[%add3A_138] : memref<1280000xf32, #tpu.memory_space<hbm>> -> memref<8000xf32, #tpu.memory_space<hbm>>
    tpu.enqueue_dma source(%arg9 : memref<8000xf32, #tpu.memory_space<vmem>>) target(%dma_start3A_140 : memref<8000xf32, #tpu.memory_space<hbm>>) target_semaphore(%arg12 : memref<!tpu.dma_semaphore, #tpu.memory_space<semaphore_mem>>)
    %mul3A_141 = arith.constant 40000 : i32
    %mul3A_142 = arith.muli %arg1, %mul3A_141 : i32
    %add3A_143 = arith.constant 32000 : i32
    %add3A_144 = arith.addi %mul3A_142, %add3A_143 : i32
    %dma_wait3A_145 = tpu.memref_slice %arg4[%add3A_138] : memref<1280000xf32, #tpu.memory_space<hbm>> -> memref<8000xf32, #tpu.memory_space<hbm>>
    %dma_wait3A_146 = tpu.memref_slice %arg4[%add3A_138] : memref<1280000xf32, #tpu.memory_space<hbm>> -> memref<8000xf32, #tpu.memory_space<hbm>>
    tpu.wait_dma2 semaphore(%arg12 : memref<!tpu.dma_semaphore, #tpu.memory_space<semaphore_mem>>) src(%arg9 : memref<8000xf32, #tpu.memory_space<vmem>>) dst(%dma_wait3A_146 : memref<8000xf32, #tpu.memory_space<hbm>>)
    "tpu.region"() ({
      %run_scoped3A = tpu.sem_alloc : memref<!tpu.dma_semaphore, #tpu.memory_space<semaphore_mem>>
      %dma_start3A_154 = tpu.memref_slice %arg10[%add3A_144] : memref<640000xf32, #tpu.memory_space<vmem_shared>> -> memref<8000xf32, #tpu.memory_space<vmem_shared>>
      %dma_start3A_155 = tpu.memref_slice %arg10[%add3A_144] : memref<640000xf32, #tpu.memory_space<vmem_shared>> -> memref<8000xf32, #tpu.memory_space<vmem_shared>>
      tpu.enqueue_dma source(%dma_start3A_155 : memref<8000xf32, #tpu.memory_space<vmem_shared>>) target(%arg9 : memref<8000xf32, #tpu.memory_space<vmem>>) target_semaphore(%run_scoped3A : memref<!tpu.dma_semaphore, #tpu.memory_space<semaphore_mem>>)
      %dma_wait3A_156 = tpu.memref_slice %arg10[%add3A_144] : memref<640000xf32, #tpu.memory_space<vmem_shared>> -> memref<8000xf32, #tpu.memory_space<vmem_shared>>
      %dma_wait3A_157 = tpu.memref_slice %arg10[%add3A_144] : memref<640000xf32, #tpu.memory_space<vmem_shared>> -> memref<8000xf32, #tpu.memory_space<vmem_shared>>
      tpu.wait_dma2 semaphore(%run_scoped3A : memref<!tpu.dma_semaphore, #tpu.memory_space<semaphore_mem>>) src(%dma_wait3A_157 : memref<8000xf32, #tpu.memory_space<vmem_shared>>) dst(%arg9 : memref<8000xf32, #tpu.memory_space<vmem>>)
      tpu.yield
    }) : () -> ()
    %mul3A_147 = arith.constant 640000 : i32
    %mul3A_148 = arith.muli %arg0, %mul3A_147 : i32
    %add3A_149 = arith.addi %mul3A_148, %add3A_144 : i32
    %dma_start3A_150 = tpu.memref_slice %arg4[%add3A_149] : memref<1280000xf32, #tpu.memory_space<hbm>> -> memref<8000xf32, #tpu.memory_space<hbm>>
    %dma_start3A_151 = tpu.memref_slice %arg4[%add3A_149] : memref<1280000xf32, #tpu.memory_space<hbm>> -> memref<8000xf32, #tpu.memory_space<hbm>>
    tpu.enqueue_dma source(%arg9 : memref<8000xf32, #tpu.memory_space<vmem>>) target(%dma_start3A_151 : memref<8000xf32, #tpu.memory_space<hbm>>) target_semaphore(%arg12 : memref<!tpu.dma_semaphore, #tpu.memory_space<semaphore_mem>>)
    %dma_wait3A_152 = tpu.memref_slice %arg4[%add3A_149] : memref<1280000xf32, #tpu.memory_space<hbm>> -> memref<8000xf32, #tpu.memory_space<hbm>>
    %dma_wait3A_153 = tpu.memref_slice %arg4[%add3A_149] : memref<1280000xf32, #tpu.memory_space<hbm>> -> memref<8000xf32, #tpu.memory_space<hbm>>
    tpu.wait_dma2 semaphore(%arg12 : memref<!tpu.dma_semaphore, #tpu.memory_space<semaphore_mem>>) src(%arg9 : memref<8000xf32, #tpu.memory_space<vmem>>) dst(%dma_wait3A_153 : memref<8000xf32, #tpu.memory_space<hbm>>)
    return
  }
}

#map = affine_map<(d0, d1) -> (0, 0)>
#map1 = affine_map<(d0, d1) -> (0)>
#map2 = affine_map<(d0, d1) -> (0, 0, 0)>
module attributes {stable_mosaic.version = 14 : i64} {
  func.func @_rows_body(%arg0: i32, %arg1: i32, %arg2: memref<10000x128xf32, #tpu.memory_space<hbm>>, %arg3: memref<640000xi32, #tpu.memory_space<hbm>>, %arg4: memref<2x10000x128xf32, #tpu.memory_space<hbm>>, %arg5: memref<80x128xf32, #tpu.memory_space<vmem>>, %arg6: memref<80x128xf32, #tpu.memory_space<vmem>>, %arg7: memref<80x128xf32, #tpu.memory_space<vmem>>, %arg8: memref<80xi32, #tpu.memory_space<vmem>>, %arg9: memref<80xi32, #tpu.memory_space<vmem>>, %arg10: memref<80xi32, #tpu.memory_space<vmem>>, %arg11: memref<125x80xi32, #tpu.memory_space<vmem>>, %arg12: memref<10000x128xf32, #tpu.memory_space<vmem_shared>>, %arg13: memref<!tpu.dma_semaphore, #tpu.memory_space<semaphore_mem>>, %arg14: memref<!tpu.dma_semaphore, #tpu.memory_space<semaphore_mem>>, %arg15: memref<!tpu.dma_semaphore, #tpu.memory_space<semaphore_mem>>, %arg16: memref<!tpu.dma_semaphore, #tpu.memory_space<semaphore_mem>>, %arg17: memref<!tpu.dma_semaphore, #tpu.memory_space<semaphore_mem>>, %arg18: memref<!tpu.dma_semaphore, #tpu.memory_space<semaphore_mem>>, %arg19: memref<!tpu.dma_semaphore, #tpu.memory_space<semaphore_mem>>) attributes {dimension_semantics = [#tpu.dimension_semantics<core_parallel>, #tpu.dimension_semantics<subcore_parallel>], iteration_bounds = array<i64: 2, 16>, scalar_prefetch = 0 : i64, scratch_operands = 15 : i64, tpu.core_type = #tpu.core_type<sc_vector_subcore>, window_params = [{transform_indices = #map}, {transform_indices = #map1}, {transform_indices = #map2}]} {
    %mul3A = arith.constant 16 : i32
    %mul3A_0 = arith.muli %arg0, %mul3A : i32
    %add3A = arith.addi %mul3A_0, %arg1 : i32
    %mul3A_1 = arith.constant 10000 : i32
    %mul3A_2 = arith.muli %add3A, %mul3A_1 : i32
    %scan3A = arith.constant 0 : i32
    %scan3A_3 = arith.constant 0 : i32
    %scan3A_4 = arith.constant 125 : i32
    %scan3A_5 = arith.addi %scan3A_3, %scan3A_4 : i32
    %scan3A_6 = arith.constant 1 : i32
    scf.for %scan3A_250 = %scan3A_3 to %scan3A_5 step %scan3A_6  : i32 {
      %add3A_251 = arith.constant 320000 : i32
      %add3A_252 = arith.addi %add3A_251, %mul3A_2 : i32
      %mul3A_253 = arith.constant 80 : i32
      %mul3A_254 = arith.muli %scan3A_250, %mul3A_253 : i32
      %add3A_255 = arith.addi %add3A_252, %mul3A_254 : i32
      %dma_start3A_256 = arith.constant 0 : i32
      %dma_start3A_257 = tpu.memref_slice %arg11[%scan3A_250, %dma_start3A_256] : memref<125x80xi32, #tpu.memory_space<vmem>> -> memref<1x80xi32, #tpu.memory_space<vmem>>
      %dma_start3A_258 = tpu.memref_squeeze %dma_start3A_257 : memref<1x80xi32, #tpu.memory_space<vmem>> -> memref<80xi32, #tpu.memory_space<vmem>>
      %dma_start3A_259 = tpu.memref_slice %arg3[%add3A_255] : memref<640000xi32, #tpu.memory_space<hbm>> -> memref<80xi32, #tpu.memory_space<hbm>>
      %dma_start3A_260 = arith.constant 0 : i32
      %dma_start3A_261 = tpu.memref_slice %arg11[%scan3A_250, %dma_start3A_260] : memref<125x80xi32, #tpu.memory_space<vmem>> -> memref<1x80xi32, #tpu.memory_space<vmem>>
      %dma_start3A_262 = tpu.memref_squeeze %dma_start3A_261 : memref<1x80xi32, #tpu.memory_space<vmem>> -> memref<80xi32, #tpu.memory_space<vmem>>
      %dma_start3A_263 = tpu.memref_slice %arg3[%add3A_255] : memref<640000xi32, #tpu.memory_space<hbm>> -> memref<80xi32, #tpu.memory_space<hbm>>
      tpu.enqueue_dma source(%dma_start3A_263 : memref<80xi32, #tpu.memory_space<hbm>>) target(%dma_start3A_262 : memref<80xi32, #tpu.memory_space<vmem>>) target_semaphore(%arg19 : memref<!tpu.dma_semaphore, #tpu.memory_space<semaphore_mem>>)
    }
    %scan3A_7 = arith.constant 125 : i32
    %scan3A_8 = arith.constant 0 : i32
    %scan3A_9 = arith.constant 0 : i32
    %scan3A_10 = arith.constant 80 : i32
    %scan3A_11 = arith.addi %scan3A_9, %scan3A_10 : i32
    %scan3A_12 = arith.constant 1 : i32
    scf.for %scan3A_250 = %scan3A_9 to %scan3A_11 step %scan3A_12  : i32 {
      %broadcast_in_dim3A = arith.constant 0.000000e+00 : f32
      %broadcast_in_dim3A_251 = vector.broadcast %broadcast_in_dim3A : f32 to vector<16xf32>
      %swap3A = arith.index_cast %scan3A_250 : i32 to index
      %swap3A_252 = arith.constant 0 : index
      %swap3A_253 = tpu.vector_load %arg5[%swap3A, %swap3A_252] {strides = array<i32>} : memref<80x128xf32, #tpu.memory_space<vmem>>, vector<1x16xf32>,
      %swap3A_254 = vector.shape_cast %swap3A_253 : vector<1x16xf32> to vector<16xf32>
      %swap3A_255 = vector.shape_cast %broadcast_in_dim3A_251 : vector<16xf32> to vector<1x16xf32>
      tpu.vector_store %arg5[%swap3A, %swap3A_252], %swap3A_255 {strides = array<i32>} : memref<80x128xf32, #tpu.memory_space<vmem>>, vector<1x16xf32>,
      %broadcast_in_dim3A_256 = arith.constant 0.000000e+00 : f32
      %broadcast_in_dim3A_257 = vector.broadcast %broadcast_in_dim3A_256 : f32 to vector<16xf32>
      %swap3A_258 = arith.index_cast %scan3A_250 : i32 to index
      %swap3A_259 = arith.constant 16 : index
      %swap3A_260 = tpu.vector_load %arg5[%swap3A_258, %swap3A_259] {strides = array<i32>} : memref<80x128xf32, #tpu.memory_space<vmem>>, vector<1x16xf32>,
      %swap3A_261 = vector.shape_cast %swap3A_260 : vector<1x16xf32> to vector<16xf32>
      %swap3A_262 = vector.shape_cast %broadcast_in_dim3A_257 : vector<16xf32> to vector<1x16xf32>
      tpu.vector_store %arg5[%swap3A_258, %swap3A_259], %swap3A_262 {strides = array<i32>} : memref<80x128xf32, #tpu.memory_space<vmem>>, vector<1x16xf32>,
      %broadcast_in_dim3A_263 = arith.constant 0.000000e+00 : f32
      %broadcast_in_dim3A_264 = vector.broadcast %broadcast_in_dim3A_263 : f32 to vector<16xf32>
      %swap3A_265 = arith.index_cast %scan3A_250 : i32 to index
      %swap3A_266 = arith.constant 32 : index
      %swap3A_267 = tpu.vector_load %arg5[%swap3A_265, %swap3A_266] {strides = array<i32>} : memref<80x128xf32, #tpu.memory_space<vmem>>, vector<1x16xf32>,
      %swap3A_268 = vector.shape_cast %swap3A_267 : vector<1x16xf32> to vector<16xf32>
      %swap3A_269 = vector.shape_cast %broadcast_in_dim3A_264 : vector<16xf32> to vector<1x16xf32>
      tpu.vector_store %arg5[%swap3A_265, %swap3A_266], %swap3A_269 {strides = array<i32>} : memref<80x128xf32, #tpu.memory_space<vmem>>, vector<1x16xf32>,
      %broadcast_in_dim3A_270 = arith.constant 0.000000e+00 : f32
      %broadcast_in_dim3A_271 = vector.broadcast %broadcast_in_dim3A_270 : f32 to vector<16xf32>
      %swap3A_272 = arith.index_cast %scan3A_250 : i32 to index
      %swap3A_273 = arith.constant 48 : index
      %swap3A_274 = tpu.vector_load %arg5[%swap3A_272, %swap3A_273] {strides = array<i32>} : memref<80x128xf32, #tpu.memory_space<vmem>>, vector<1x16xf32>,
      %swap3A_275 = vector.shape_cast %swap3A_274 : vector<1x16xf32> to vector<16xf32>
      %swap3A_276 = vector.shape_cast %broadcast_in_dim3A_271 : vector<16xf32> to vector<1x16xf32>
      tpu.vector_store %arg5[%swap3A_272, %swap3A_273], %swap3A_276 {strides = array<i32>} : memref<80x128xf32, #tpu.memory_space<vmem>>, vector<1x16xf32>,
      %broadcast_in_dim3A_277 = arith.constant 0.000000e+00 : f32
      %broadcast_in_dim3A_278 = vector.broadcast %broadcast_in_dim3A_277 : f32 to vector<16xf32>
      %swap3A_279 = arith.index_cast %scan3A_250 : i32 to index
      %swap3A_280 = arith.constant 64 : index
      %swap3A_281 = tpu.vector_load %arg5[%swap3A_279, %swap3A_280] {strides = array<i32>} : memref<80x128xf32, #tpu.memory_space<vmem>>, vector<1x16xf32>,
      %swap3A_282 = vector.shape_cast %swap3A_281 : vector<1x16xf32> to vector<16xf32>
      %swap3A_283 = vector.shape_cast %broadcast_in_dim3A_278 : vector<16xf32> to vector<1x16xf32>
      tpu.vector_store %arg5[%swap3A_279, %swap3A_280], %swap3A_283 {strides = array<i32>} : memref<80x128xf32, #tpu.memory_space<vmem>>, vector<1x16xf32>,
      %broadcast_in_dim3A_284 = arith.constant 0.000000e+00 : f32
      %broadcast_in_dim3A_285 = vector.broadcast %broadcast_in_dim3A_284 : f32 to vector<16xf32>
      %swap3A_286 = arith.index_cast %scan3A_250 : i32 to index
      %swap3A_287 = arith.constant 80 : index
      %swap3A_288 = tpu.vector_load %arg5[%swap3A_286, %swap3A_287] {strides = array<i32>} : memref<80x128xf32, #tpu.memory_space<vmem>>, vector<1x16xf32>,
      %swap3A_289 = vector.shape_cast %swap3A_288 : vector<1x16xf32> to vector<16xf32>
      %swap3A_290 = vector.shape_cast %broadcast_in_dim3A_285 : vector<16xf32> to vector<1x16xf32>
      tpu.vector_store %arg5[%swap3A_286, %swap3A_287], %swap3A_290 {strides = array<i32>} : memref<80x128xf32, #tpu.memory_space<vmem>>, vector<1x16xf32>,
      %broadcast_in_dim3A_291 = arith.constant 0.000000e+00 : f32
      %broadcast_in_dim3A_292 = vector.broadcast %broadcast_in_dim3A_291 : f32 to vector<16xf32>
      %swap3A_293 = arith.index_cast %scan3A_250 : i32 to index
      %swap3A_294 = arith.constant 96 : index
      %swap3A_295 = tpu.vector_load %arg5[%swap3A_293, %swap3A_294] {strides = array<i32>} : memref<80x128xf32, #tpu.memory_space<vmem>>, vector<1x16xf32>,
      %swap3A_296 = vector.shape_cast %swap3A_295 : vector<1x16xf32> to vector<16xf32>
      %swap3A_297 = vector.shape_cast %broadcast_in_dim3A_292 : vector<16xf32> to vector<1x16xf32>
      tpu.vector_store %arg5[%swap3A_293, %swap3A_294], %swap3A_297 {strides = array<i32>} : memref<80x128xf32, #tpu.memory_space<vmem>>, vector<1x16xf32>,
      %broadcast_in_dim3A_298 = arith.constant 0.000000e+00 : f32
      %broadcast_in_dim3A_299 = vector.broadcast %broadcast_in_dim3A_298 : f32 to vector<16xf32>
      %swap3A_300 = arith.index_cast %scan3A_250 : i32 to index
      %swap3A_301 = arith.constant 112 : index
      %swap3A_302 = tpu.vector_load %arg5[%swap3A_300, %swap3A_301] {strides = array<i32>} : memref<80x128xf32, #tpu.memory_space<vmem>>, vector<1x16xf32>,
      %swap3A_303 = vector.shape_cast %swap3A_302 : vector<1x16xf32> to vector<16xf32>
      %swap3A_304 = vector.shape_cast %broadcast_in_dim3A_299 : vector<16xf32> to vector<1x16xf32>
      tpu.vector_store %arg5[%swap3A_300, %swap3A_301], %swap3A_304 {strides = array<i32>} : memref<80x128xf32, #tpu.memory_space<vmem>>, vector<1x16xf32>,
    }
    %scan3A_13 = arith.constant 80 : i32
    %add3A_14 = arith.constant 0 : i32
    %add3A_15 = arith.addi %arg1, %add3A_14 : i32
    %mul3A_16 = arith.constant 80 : i32
    %mul3A_17 = arith.muli %add3A_15, %mul3A_16 : i32
    %dma_start3A = arith.constant 0 : i32
    %dma_start3A_18 = tpu.memref_slice %arg12[%mul3A_17, %dma_start3A] : memref<10000x128xf32, #tpu.memory_space<vmem_shared>> -> memref<80x128xf32, #tpu.memory_space<vmem_shared>>
    %dma_start3A_19 = arith.constant 0 : i32
    %dma_start3A_20 = tpu.memref_slice %arg12[%mul3A_17, %dma_start3A_19] : memref<10000x128xf32, #tpu.memory_space<vmem_shared>> -> memref<80x128xf32, #tpu.memory_space<vmem_shared>>
    tpu.enqueue_dma source(%arg5 : memref<80x128xf32, #tpu.memory_space<vmem>>) target(%dma_start3A_20 : memref<80x128xf32, #tpu.memory_space<vmem_shared>>) target_semaphore(%arg13 : memref<!tpu.dma_semaphore, #tpu.memory_space<semaphore_mem>>)
    %add3A_21 = arith.constant 16 : i32
    %add3A_22 = arith.addi %arg1, %add3A_21 : i32
    %mul3A_23 = arith.constant 80 : i32
    %mul3A_24 = arith.muli %add3A_22, %mul3A_23 : i32
    %dma_start3A_25 = arith.constant 0 : i32
    %dma_start3A_26 = tpu.memref_slice %arg12[%mul3A_24, %dma_start3A_25] : memref<10000x128xf32, #tpu.memory_space<vmem_shared>> -> memref<80x128xf32, #tpu.memory_space<vmem_shared>>
    %dma_start3A_27 = arith.constant 0 : i32
    %dma_start3A_28 = tpu.memref_slice %arg12[%mul3A_24, %dma_start3A_27] : memref<10000x128xf32, #tpu.memory_space<vmem_shared>> -> memref<80x128xf32, #tpu.memory_space<vmem_shared>>
    tpu.enqueue_dma source(%arg5 : memref<80x128xf32, #tpu.memory_space<vmem>>) target(%dma_start3A_28 : memref<80x128xf32, #tpu.memory_space<vmem_shared>>) target_semaphore(%arg13 : memref<!tpu.dma_semaphore, #tpu.memory_space<semaphore_mem>>)
    %add3A_29 = arith.constant 32 : i32
    %add3A_30 = arith.addi %arg1, %add3A_29 : i32
    %mul3A_31 = arith.constant 80 : i32
    %mul3A_32 = arith.muli %add3A_30, %mul3A_31 : i32
    %dma_start3A_33 = arith.constant 0 : i32
    %dma_start3A_34 = tpu.memref_slice %arg12[%mul3A_32, %dma_start3A_33] : memref<10000x128xf32, #tpu.memory_space<vmem_shared>> -> memref<80x128xf32, #tpu.memory_space<vmem_shared>>
    %dma_start3A_35 = arith.constant 0 : i32
    %dma_start3A_36 = tpu.memref_slice %arg12[%mul3A_32, %dma_start3A_35] : memref<10000x128xf32, #tpu.memory_space<vmem_shared>> -> memref<80x128xf32, #tpu.memory_space<vmem_shared>>
    tpu.enqueue_dma source(%arg5 : memref<80x128xf32, #tpu.memory_space<vmem>>) target(%dma_start3A_36 : memref<80x128xf32, #tpu.memory_space<vmem_shared>>) target_semaphore(%arg13 : memref<!tpu.dma_semaphore, #tpu.memory_space<semaphore_mem>>)
    %add3A_37 = arith.constant 48 : i32
    %add3A_38 = arith.addi %arg1, %add3A_37 : i32
    %mul3A_39 = arith.constant 80 : i32
    %mul3A_40 = arith.muli %add3A_38, %mul3A_39 : i32
    %dma_start3A_41 = arith.constant 0 : i32
    %dma_start3A_42 = tpu.memref_slice %arg12[%mul3A_40, %dma_start3A_41] : memref<10000x128xf32, #tpu.memory_space<vmem_shared>> -> memref<80x128xf32, #tpu.memory_space<vmem_shared>>
    %dma_start3A_43 = arith.constant 0 : i32
    %dma_start3A_44 = tpu.memref_slice %arg12[%mul3A_40, %dma_start3A_43] : memref<10000x128xf32, #tpu.memory_space<vmem_shared>> -> memref<80x128xf32, #tpu.memory_space<vmem_shared>>
    tpu.enqueue_dma source(%arg5 : memref<80x128xf32, #tpu.memory_space<vmem>>) target(%dma_start3A_44 : memref<80x128xf32, #tpu.memory_space<vmem_shared>>) target_semaphore(%arg13 : memref<!tpu.dma_semaphore, #tpu.memory_space<semaphore_mem>>)
    %add3A_45 = arith.constant 64 : i32
    %add3A_46 = arith.addi %arg1, %add3A_45 : i32
    %mul3A_47 = arith.constant 80 : i32
    %mul3A_48 = arith.muli %add3A_46, %mul3A_47 : i32
    %dma_start3A_49 = arith.constant 0 : i32
    %dma_start3A_50 = tpu.memref_slice %arg12[%mul3A_48, %dma_start3A_49] : memref<10000x128xf32, #tpu.memory_space<vmem_shared>> -> memref<80x128xf32, #tpu.memory_space<vmem_shared>>
    %dma_start3A_51 = arith.constant 0 : i32
    %dma_start3A_52 = tpu.memref_slice %arg12[%mul3A_48, %dma_start3A_51] : memref<10000x128xf32, #tpu.memory_space<vmem_shared>> -> memref<80x128xf32, #tpu.memory_space<vmem_shared>>
    tpu.enqueue_dma source(%arg5 : memref<80x128xf32, #tpu.memory_space<vmem>>) target(%dma_start3A_52 : memref<80x128xf32, #tpu.memory_space<vmem_shared>>) target_semaphore(%arg13 : memref<!tpu.dma_semaphore, #tpu.memory_space<semaphore_mem>>)
    %add3A_53 = arith.constant 80 : i32
    %add3A_54 = arith.addi %arg1, %add3A_53 : i32
    %mul3A_55 = arith.constant 80 : i32
    %mul3A_56 = arith.muli %add3A_54, %mul3A_55 : i32
    %dma_start3A_57 = arith.constant 0 : i32
    %dma_start3A_58 = tpu.memref_slice %arg12[%mul3A_56, %dma_start3A_57] : memref<10000x128xf32, #tpu.memory_space<vmem_shared>> -> memref<80x128xf32, #tpu.memory_space<vmem_shared>>
    %dma_start3A_59 = arith.constant 0 : i32
    %dma_start3A_60 = tpu.memref_slice %arg12[%mul3A_56, %dma_start3A_59] : memref<10000x128xf32, #tpu.memory_space<vmem_shared>> -> memref<80x128xf32, #tpu.memory_space<vmem_shared>>
    tpu.enqueue_dma source(%arg5 : memref<80x128xf32, #tpu.memory_space<vmem>>) target(%dma_start3A_60 : memref<80x128xf32, #tpu.memory_space<vmem_shared>>) target_semaphore(%arg13 : memref<!tpu.dma_semaphore, #tpu.memory_space<semaphore_mem>>)
    %add3A_61 = arith.constant 96 : i32
    %add3A_62 = arith.addi %arg1, %add3A_61 : i32
    %mul3A_63 = arith.constant 80 : i32
    %mul3A_64 = arith.muli %add3A_62, %mul3A_63 : i32
    %dma_start3A_65 = arith.constant 0 : i32
    %dma_start3A_66 = tpu.memref_slice %arg12[%mul3A_64, %dma_start3A_65] : memref<10000x128xf32, #tpu.memory_space<vmem_shared>> -> memref<80x128xf32, #tpu.memory_space<vmem_shared>>
    %dma_start3A_67 = arith.constant 0 : i32
    %dma_start3A_68 = tpu.memref_slice %arg12[%mul3A_64, %dma_start3A_67] : memref<10000x128xf32, #tpu.memory_space<vmem_shared>> -> memref<80x128xf32, #tpu.memory_space<vmem_shared>>
    tpu.enqueue_dma source(%arg5 : memref<80x128xf32, #tpu.memory_space<vmem>>) target(%dma_start3A_68 : memref<80x128xf32, #tpu.memory_space<vmem_shared>>) target_semaphore(%arg13 : memref<!tpu.dma_semaphore, #tpu.memory_space<semaphore_mem>>)
    %add3A_69 = arith.constant 112 : i32
    %add3A_70 = arith.addi %arg1, %add3A_69 : i32
    %min3A = arith.constant 124 : i32
    %min3A_71 = arith.minsi %add3A_70, %min3A : i32
    %lt3A = arith.constant 125 : i32
    %lt3A_72 = arith.cmpi slt, %add3A_70, %lt3A : i32
    %convert_element_type3A = arith.extui %lt3A_72 : i1 to i32
    %cond3A = arith.constant 0 : i32
    %cond3A_73 = arith.cmpi ne, %convert_element_type3A, %cond3A : i32
    scf.if %cond3A_73 {
      %mul3A_250 = arith.constant 80 : i32
      %mul3A_251 = arith.muli %min3A_71, %mul3A_250 : i32
      %dma_start3A_252 = arith.constant 0 : i32
      %dma_start3A_253 = tpu.memref_slice %arg12[%mul3A_251, %dma_start3A_252] : memref<10000x128xf32, #tpu.memory_space<vmem_shared>> -> memref<80x128xf32, #tpu.memory_space<vmem_shared>>
      %dma_start3A_254 = arith.constant 0 : i32
      %dma_start3A_255 = tpu.memref_slice %arg12[%mul3A_251, %dma_start3A_254] : memref<10000x128xf32, #tpu.memory_space<vmem_shared>> -> memref<80x128xf32, #tpu.memory_space<vmem_shared>>
      tpu.enqueue_dma source(%arg5 : memref<80x128xf32, #tpu.memory_space<vmem>>) target(%dma_start3A_255 : memref<80x128xf32, #tpu.memory_space<vmem_shared>>) target_semaphore(%arg13 : memref<!tpu.dma_semaphore, #tpu.memory_space<semaphore_mem>>)
      %dma_wait3A_256 = arith.constant 0 : i32
      %dma_wait3A_257 = tpu.memref_slice %arg12[%mul3A_251, %dma_wait3A_256] : memref<10000x128xf32, #tpu.memory_space<vmem_shared>> -> memref<80x128xf32, #tpu.memory_space<vmem_shared>>
      %dma_wait3A_258 = arith.constant 0 : i32
      %dma_wait3A_259 = tpu.memref_slice %arg12[%mul3A_251, %dma_wait3A_258] : memref<10000x128xf32, #tpu.memory_space<vmem_shared>> -> memref<80x128xf32, #tpu.memory_space<vmem_shared>>
      tpu.wait_dma2 semaphore(%arg13 : memref<!tpu.dma_semaphore, #tpu.memory_space<semaphore_mem>>) src(%arg5 : memref<80x128xf32, #tpu.memory_space<vmem>>) dst(%dma_wait3A_259 : memref<80x128xf32, #tpu.memory_space<vmem_shared>>)
    } else {
    }
    %dma_wait3A = arith.constant 0 : i32
    %dma_wait3A_74 = tpu.memref_slice %arg12[%mul3A_17, %dma_wait3A] : memref<10000x128xf32, #tpu.memory_space<vmem_shared>> -> memref<80x128xf32, #tpu.memory_space<vmem_shared>>
    %dma_wait3A_75 = arith.constant 0 : i32
    %dma_wait3A_76 = tpu.memref_slice %arg12[%mul3A_17, %dma_wait3A_75] : memref<10000x128xf32, #tpu.memory_space<vmem_shared>> -> memref<80x128xf32, #tpu.memory_space<vmem_shared>>
    tpu.wait_dma2 semaphore(%arg13 : memref<!tpu.dma_semaphore, #tpu.memory_space<semaphore_mem>>) src(%arg5 : memref<80x128xf32, #tpu.memory_space<vmem>>) dst(%dma_wait3A_76 : memref<80x128xf32, #tpu.memory_space<vmem_shared>>)
    %dma_wait3A_77 = arith.constant 0 : i32
    %dma_wait3A_78 = tpu.memref_slice %arg12[%mul3A_24, %dma_wait3A_77] : memref<10000x128xf32, #tpu.memory_space<vmem_shared>> -> memref<80x128xf32, #tpu.memory_space<vmem_shared>>
    %dma_wait3A_79 = arith.constant 0 : i32
    %dma_wait3A_80 = tpu.memref_slice %arg12[%mul3A_24, %dma_wait3A_79] : memref<10000x128xf32, #tpu.memory_space<vmem_shared>> -> memref<80x128xf32, #tpu.memory_space<vmem_shared>>
    tpu.wait_dma2 semaphore(%arg13 : memref<!tpu.dma_semaphore, #tpu.memory_space<semaphore_mem>>) src(%arg5 : memref<80x128xf32, #tpu.memory_space<vmem>>) dst(%dma_wait3A_80 : memref<80x128xf32, #tpu.memory_space<vmem_shared>>)
    %dma_wait3A_81 = arith.constant 0 : i32
    %dma_wait3A_82 = tpu.memref_slice %arg12[%mul3A_32, %dma_wait3A_81] : memref<10000x128xf32, #tpu.memory_space<vmem_shared>> -> memref<80x128xf32, #tpu.memory_space<vmem_shared>>
    %dma_wait3A_83 = arith.constant 0 : i32
    %dma_wait3A_84 = tpu.memref_slice %arg12[%mul3A_32, %dma_wait3A_83] : memref<10000x128xf32, #tpu.memory_space<vmem_shared>> -> memref<80x128xf32, #tpu.memory_space<vmem_shared>>
    tpu.wait_dma2 semaphore(%arg13 : memref<!tpu.dma_semaphore, #tpu.memory_space<semaphore_mem>>) src(%arg5 : memref<80x128xf32, #tpu.memory_space<vmem>>) dst(%dma_wait3A_84 : memref<80x128xf32, #tpu.memory_space<vmem_shared>>)
    %dma_wait3A_85 = arith.constant 0 : i32
    %dma_wait3A_86 = tpu.memref_slice %arg12[%mul3A_40, %dma_wait3A_85] : memref<10000x128xf32, #tpu.memory_space<vmem_shared>> -> memref<80x128xf32, #tpu.memory_space<vmem_shared>>
    %dma_wait3A_87 = arith.constant 0 : i32
    %dma_wait3A_88 = tpu.memref_slice %arg12[%mul3A_40, %dma_wait3A_87] : memref<10000x128xf32, #tpu.memory_space<vmem_shared>> -> memref<80x128xf32, #tpu.memory_space<vmem_shared>>
    tpu.wait_dma2 semaphore(%arg13 : memref<!tpu.dma_semaphore, #tpu.memory_space<semaphore_mem>>) src(%arg5 : memref<80x128xf32, #tpu.memory_space<vmem>>) dst(%dma_wait3A_88 : memref<80x128xf32, #tpu.memory_space<vmem_shared>>)
    %dma_wait3A_89 = arith.constant 0 : i32
    %dma_wait3A_90 = tpu.memref_slice %arg12[%mul3A_48, %dma_wait3A_89] : memref<10000x128xf32, #tpu.memory_space<vmem_shared>> -> memref<80x128xf32, #tpu.memory_space<vmem_shared>>
    %dma_wait3A_91 = arith.constant 0 : i32
    %dma_wait3A_92 = tpu.memref_slice %arg12[%mul3A_48, %dma_wait3A_91] : memref<10000x128xf32, #tpu.memory_space<vmem_shared>> -> memref<80x128xf32, #tpu.memory_space<vmem_shared>>
    tpu.wait_dma2 semaphore(%arg13 : memref<!tpu.dma_semaphore, #tpu.memory_space<semaphore_mem>>) src(%arg5 : memref<80x128xf32, #tpu.memory_space<vmem>>) dst(%dma_wait3A_92 : memref<80x128xf32, #tpu.memory_space<vmem_shared>>)
    %dma_wait3A_93 = arith.constant 0 : i32
    %dma_wait3A_94 = tpu.memref_slice %arg12[%mul3A_56, %dma_wait3A_93] : memref<10000x128xf32, #tpu.memory_space<vmem_shared>> -> memref<80x128xf32, #tpu.memory_space<vmem_shared>>
    %dma_wait3A_95 = arith.constant 0 : i32
    %dma_wait3A_96 = tpu.memref_slice %arg12[%mul3A_56, %dma_wait3A_95] : memref<10000x128xf32, #tpu.memory_space<vmem_shared>> -> memref<80x128xf32, #tpu.memory_space<vmem_shared>>
    tpu.wait_dma2 semaphore(%arg13 : memref<!tpu.dma_semaphore, #tpu.memory_space<semaphore_mem>>) src(%arg5 : memref<80x128xf32, #tpu.memory_space<vmem>>) dst(%dma_wait3A_96 : memref<80x128xf32, #tpu.memory_space<vmem_shared>>)
    %dma_wait3A_97 = arith.constant 0 : i32
    %dma_wait3A_98 = tpu.memref_slice %arg12[%mul3A_64, %dma_wait3A_97] : memref<10000x128xf32, #tpu.memory_space<vmem_shared>> -> memref<80x128xf32, #tpu.memory_space<vmem_shared>>
    %dma_wait3A_99 = arith.constant 0 : i32
    %dma_wait3A_100 = tpu.memref_slice %arg12[%mul3A_64, %dma_wait3A_99] : memref<10000x128xf32, #tpu.memory_space<vmem_shared>> -> memref<80x128xf32, #tpu.memory_space<vmem_shared>>
    tpu.wait_dma2 semaphore(%arg13 : memref<!tpu.dma_semaphore, #tpu.memory_space<semaphore_mem>>) src(%arg5 : memref<80x128xf32, #tpu.memory_space<vmem>>) dst(%dma_wait3A_100 : memref<80x128xf32, #tpu.memory_space<vmem_shared>>)
    %scan3A_101 = arith.constant 0 : i32
    %scan3A_102 = arith.constant 0 : i32
    %scan3A_103 = arith.constant 125 : i32
    %scan3A_104 = arith.addi %scan3A_102, %scan3A_103 : i32
    %scan3A_105 = arith.constant 1 : i32
    scf.for %scan3A_250 = %scan3A_102 to %scan3A_104 step %scan3A_105  : i32 {
      %dma_wait3A_251 = arith.constant 0 : i32
      %dma_wait3A_252 = arith.constant 0 : i32
      %dma_wait3A_253 = tpu.memref_slice %arg11[%dma_wait3A_251, %dma_wait3A_252] : memref<125x80xi32, #tpu.memory_space<vmem>> -> memref<1x80xi32, #tpu.memory_space<vmem>>
      %dma_wait3A_254 = tpu.memref_squeeze %dma_wait3A_253 : memref<1x80xi32, #tpu.memory_space<vmem>> -> memref<80xi32, #tpu.memory_space<vmem>>
      %dma_wait3A_255 = arith.constant 0 : i32
      %dma_wait3A_256 = tpu.memref_slice %arg3[%dma_wait3A_255] : memref<640000xi32, #tpu.memory_space<hbm>> -> memref<80xi32, #tpu.memory_space<hbm>>
      %dma_wait3A_257 = arith.constant 0 : i32
      %dma_wait3A_258 = tpu.memref_slice %arg11[%dma_wait3A_251, %dma_wait3A_257] : memref<125x80xi32, #tpu.memory_space<vmem>> -> memref<1x80xi32, #tpu.memory_space<vmem>>
      %dma_wait3A_259 = tpu.memref_squeeze %dma_wait3A_258 : memref<1x80xi32, #tpu.memory_space<vmem>> -> memref<80xi32, #tpu.memory_space<vmem>>
      %dma_wait3A_260 = arith.constant 0 : i32
      %dma_wait3A_261 = tpu.memref_slice %arg3[%dma_wait3A_260] : memref<640000xi32, #tpu.memory_space<hbm>> -> memref<80xi32, #tpu.memory_space<hbm>>
      tpu.wait_dma2 semaphore(%arg19 : memref<!tpu.dma_semaphore, #tpu.memory_space<semaphore_mem>>) src(%dma_wait3A_261 : memref<80xi32, #tpu.memory_space<hbm>>) dst(%dma_wait3A_259 : memref<80xi32, #tpu.memory_space<vmem>>)
    }
    %scan3A_106 = arith.constant 125 : i32
    %barrier3A = arith.constant 0 : index
    tpu.barrier barrier_id(%barrier3A)
    %add3A_107 = arith.constant 0 : i32
    %add3A_108 = arith.addi %mul3A_2, %add3A_107 : i32
    %dma_start3A_109 = tpu.memref_slice %arg3[%add3A_108] : memref<640000xi32, #tpu.memory_space<hbm>> -> memref<80xi32, #tpu.memory_space<hbm>>
    %dma_start3A_110 = tpu.memref_slice %arg3[%add3A_108] : memref<640000xi32, #tpu.memory_space<hbm>> -> memref<80xi32, #tpu.memory_space<hbm>>
    tpu.enqueue_dma source(%dma_start3A_110 : memref<80xi32, #tpu.memory_space<hbm>>) target(%arg8 : memref<80xi32, #tpu.memory_space<vmem>>) target_semaphore(%arg16 : memref<!tpu.dma_semaphore, #tpu.memory_space<semaphore_mem>>)
    %dma_wait3A_111 = tpu.memref_slice %arg3[%add3A_108] : memref<640000xi32, #tpu.memory_space<hbm>> -> memref<80xi32, #tpu.memory_space<hbm>>
    %dma_wait3A_112 = tpu.memref_slice %arg3[%add3A_108] : memref<640000xi32, #tpu.memory_space<hbm>> -> memref<80xi32, #tpu.memory_space<hbm>>
    tpu.wait_dma2 semaphore(%arg16 : memref<!tpu.dma_semaphore, #tpu.memory_space<semaphore_mem>>) src(%dma_wait3A_112 : memref<80xi32, #tpu.memory_space<hbm>>) dst(%arg8 : memref<80xi32, #tpu.memory_space<vmem>>)
    %dma_start3A_113 = arith.constant 0 : i32
    %dma_start3A_114 = arith.constant 0 : i32
    %dma_start3A_115 = tpu.memref_slice %arg2[%dma_start3A_113, %dma_start3A_114] : memref<10000x128xf32, #tpu.memory_space<hbm>> -> memref<10000x128xf32, #tpu.memory_space<hbm>>
    tpu.enqueue_indirect_dma source(%dma_start3A_115 : memref<10000x128xf32, #tpu.memory_space<hbm>>) target(%arg5 : memref<80x128xf32, #tpu.memory_space<vmem>>) offsets(%arg8 : memref<80xi32, #tpu.memory_space<vmem>>) semaphore(%arg13 : memref<!tpu.dma_semaphore, #tpu.memory_space<semaphore_mem>>)
    %add3A_116 = arith.constant 80 : i32
    %add3A_117 = arith.addi %mul3A_2, %add3A_116 : i32
    %dma_start3A_118 = tpu.memref_slice %arg3[%add3A_117] : memref<640000xi32, #tpu.memory_space<hbm>> -> memref<80xi32, #tpu.memory_space<hbm>>
    %dma_start3A_119 = tpu.memref_slice %arg3[%add3A_117] : memref<640000xi32, #tpu.memory_space<hbm>> -> memref<80xi32, #tpu.memory_space<hbm>>
    tpu.enqueue_dma source(%dma_start3A_119 : memref<80xi32, #tpu.memory_space<hbm>>) target(%arg9 : memref<80xi32, #tpu.memory_space<vmem>>) target_semaphore(%arg17 : memref<!tpu.dma_semaphore, #tpu.memory_space<semaphore_mem>>)
    %dma_wait3A_120 = tpu.memref_slice %arg3[%add3A_117] : memref<640000xi32, #tpu.memory_space<hbm>> -> memref<80xi32, #tpu.memory_space<hbm>>
    %dma_wait3A_121 = tpu.memref_slice %arg3[%add3A_117] : memref<640000xi32, #tpu.memory_space<hbm>> -> memref<80xi32, #tpu.memory_space<hbm>>
    tpu.wait_dma2 semaphore(%arg17 : memref<!tpu.dma_semaphore, #tpu.memory_space<semaphore_mem>>) src(%dma_wait3A_121 : memref<80xi32, #tpu.memory_space<hbm>>) dst(%arg9 : memref<80xi32, #tpu.memory_space<vmem>>)
    %dma_start3A_122 = arith.constant 0 : i32
    %dma_start3A_123 = arith.constant 0 : i32
    %dma_start3A_124 = tpu.memref_slice %arg2[%dma_start3A_122, %dma_start3A_123] : memref<10000x128xf32, #tpu.memory_space<hbm>> -> memref<10000x128xf32, #tpu.memory_space<hbm>>
    tpu.enqueue_indirect_dma source(%dma_start3A_124 : memref<10000x128xf32, #tpu.memory_space<hbm>>) target(%arg6 : memref<80x128xf32, #tpu.memory_space<vmem>>) offsets(%arg9 : memref<80xi32, #tpu.memory_space<vmem>>) semaphore(%arg14 : memref<!tpu.dma_semaphore, #tpu.memory_space<semaphore_mem>>)
    %add3A_125 = arith.constant 160 : i32
    %add3A_126 = arith.addi %mul3A_2, %add3A_125 : i32
    %dma_start3A_127 = tpu.memref_slice %arg3[%add3A_126] : memref<640000xi32, #tpu.memory_space<hbm>> -> memref<80xi32, #tpu.memory_space<hbm>>
    %dma_start3A_128 = tpu.memref_slice %arg3[%add3A_126] : memref<640000xi32, #tpu.memory_space<hbm>> -> memref<80xi32, #tpu.memory_space<hbm>>
    tpu.enqueue_dma source(%dma_start3A_128 : memref<80xi32, #tpu.memory_space<hbm>>) target(%arg10 : memref<80xi32, #tpu.memory_space<vmem>>) target_semaphore(%arg18 : memref<!tpu.dma_semaphore, #tpu.memory_space<semaphore_mem>>)
    %scan3A_129 = arith.constant 0 : i32
    %scan3A_130 = arith.constant 0 : i32
    %scan3A_131 = arith.constant 41 : i32
    %scan3A_132 = arith.addi %scan3A_130, %scan3A_131 : i32
    %scan3A_133 = arith.constant 1 : i32
    scf.for %scan3A_250 = %scan3A_130 to %scan3A_132 step %scan3A_133  : i32 {
      %mul3A_251 = arith.constant 3 : i32
      %mul3A_252 = arith.muli %mul3A_251, %scan3A_250 : i32
      %add3A_253 = arith.constant 0 : i32
      %add3A_254 = arith.addi %mul3A_252, %add3A_253 : i32
      %dma_wait3A_255 = arith.constant 0 : i32
      %dma_wait3A_256 = arith.constant 0 : i32
      %dma_wait3A_257 = tpu.memref_slice %arg2[%dma_wait3A_255, %dma_wait3A_256] : memref<10000x128xf32, #tpu.memory_space<hbm>> -> memref<10000x128xf32, #tpu.memory_space<hbm>>
      tpu.wait_indirect_dma semaphore(%arg13 : memref<!tpu.dma_semaphore, #tpu.memory_space<semaphore_mem>>) src(%dma_wait3A_257 : memref<10000x128xf32, #tpu.memory_space<hbm>>) dst(%arg5 : memref<80x128xf32, #tpu.memory_space<vmem>>)
      %add3A_258 = arith.constant 3 : i32
      %add3A_259 = arith.addi %add3A_254, %add3A_258 : i32
      %lt3A_260 = arith.constant 125 : i32
      %lt3A_261 = arith.cmpi slt, %add3A_259, %lt3A_260 : i32
      %convert_element_type3A_262 = arith.extui %lt3A_261 : i1 to i32
      %cond3A_263 = arith.constant 0 : i32
      %cond3A_264 = arith.cmpi ne, %convert_element_type3A_262, %cond3A_263 : i32
      scf.if %cond3A_264 {
        %add3A_314 = arith.constant 3 : i32
        %add3A_315 = arith.addi %add3A_254, %add3A_314 : i32
        %mul3A_316 = arith.constant 80 : i32
        %mul3A_317 = arith.muli %add3A_315, %mul3A_316 : i32
        %add3A_318 = arith.addi %mul3A_2, %mul3A_317 : i32
        %dma_start3A_319 = tpu.memref_slice %arg3[%add3A_318] : memref<640000xi32, #tpu.memory_space<hbm>> -> memref<80xi32, #tpu.memory_space<hbm>>
        %dma_start3A_320 = tpu.memref_slice %arg3[%add3A_318] : memref<640000xi32, #tpu.memory_space<hbm>> -> memref<80xi32, #tpu.memory_space<hbm>>
        tpu.enqueue_dma source(%dma_start3A_320 : memref<80xi32, #tpu.memory_space<hbm>>) target(%arg8 : memref<80xi32, #tpu.memory_space<vmem>>) target_semaphore(%arg16 : memref<!tpu.dma_semaphore, #tpu.memory_space<semaphore_mem>>)
      } else {
      }
      %dma_wait3A_265 = arith.constant 0 : i32
      %dma_wait3A_266 = tpu.memref_slice %arg3[%dma_wait3A_265] : memref<640000xi32, #tpu.memory_space<hbm>> -> memref<80xi32, #tpu.memory_space<hbm>>
      %dma_wait3A_267 = arith.constant 0 : i32
      %dma_wait3A_268 = tpu.memref_slice %arg3[%dma_wait3A_267] : memref<640000xi32, #tpu.memory_space<hbm>> -> memref<80xi32, #tpu.memory_space<hbm>>
      tpu.wait_dma2 semaphore(%arg18 : memref<!tpu.dma_semaphore, #tpu.memory_space<semaphore_mem>>) src(%dma_wait3A_268 : memref<80xi32, #tpu.memory_space<hbm>>) dst(%arg10 : memref<80xi32, #tpu.memory_space<vmem>>)
      %dma_start3A_269 = arith.constant 0 : i32
      %dma_start3A_270 = arith.constant 0 : i32
      %dma_start3A_271 = tpu.memref_slice %arg2[%dma_start3A_269, %dma_start3A_270] : memref<10000x128xf32, #tpu.memory_space<hbm>> -> memref<10000x128xf32, #tpu.memory_space<hbm>>
      tpu.enqueue_indirect_dma source(%dma_start3A_271 : memref<10000x128xf32, #tpu.memory_space<hbm>>) target(%arg7 : memref<80x128xf32, #tpu.memory_space<vmem>>) offsets(%arg10 : memref<80xi32, #tpu.memory_space<vmem>>) semaphore(%arg15 : memref<!tpu.dma_semaphore, #tpu.memory_space<semaphore_mem>>)
      "tpu.region"() ({
        %run_scoped3A_314 = tpu.sem_alloc : memref<!tpu.dma_semaphore, #tpu.memory_space<semaphore_mem>>
        %dma_start3A_315 = arith.constant 0 : i32
        %dma_start3A_316 = tpu.memref_slice %arg11[%add3A_254, %dma_start3A_315] : memref<125x80xi32, #tpu.memory_space<vmem>> -> memref<1x80xi32, #tpu.memory_space<vmem>>
        %dma_start3A_317 = tpu.memref_squeeze %dma_start3A_316 : memref<1x80xi32, #tpu.memory_space<vmem>> -> memref<80xi32, #tpu.memory_space<vmem>>
        %dma_start3A_318 = arith.constant 0 : i32
        %dma_start3A_319 = arith.constant 0 : i32
        %dma_start3A_320 = tpu.memref_slice %arg12[%dma_start3A_318, %dma_start3A_319] : memref<10000x128xf32, #tpu.memory_space<vmem_shared>> -> memref<10000x128xf32, #tpu.memory_space<vmem_shared>>
        tpu.enqueue_indirect_dma source(%arg5 : memref<80x128xf32, #tpu.memory_space<vmem>>) target(%dma_start3A_320 : memref<10000x128xf32, #tpu.memory_space<vmem_shared>>) offsets(%dma_start3A_317 : memref<80xi32, #tpu.memory_space<vmem>>) semaphore(%run_scoped3A_314 : memref<!tpu.dma_semaphore, #tpu.memory_space<semaphore_mem>>) {add = true}
        %dma_wait3A_321 = arith.constant 0 : i32
        %dma_wait3A_322 = tpu.memref_slice %arg11[%add3A_254, %dma_wait3A_321] : memref<125x80xi32, #tpu.memory_space<vmem>> -> memref<1x80xi32, #tpu.memory_space<vmem>>
        %dma_wait3A_323 = tpu.memref_squeeze %dma_wait3A_322 : memref<1x80xi32, #tpu.memory_space<vmem>> -> memref<80xi32, #tpu.memory_space<vmem>>
        %dma_wait3A_324 = arith.constant 0 : i32
        %dma_wait3A_325 = arith.constant 0 : i32
        %dma_wait3A_326 = tpu.memref_slice %arg12[%dma_wait3A_324, %dma_wait3A_325] : memref<10000x128xf32, #tpu.memory_space<vmem_shared>> -> memref<10000x128xf32, #tpu.memory_space<vmem_shared>>
        tpu.wait_indirect_dma semaphore(%run_scoped3A_314 : memref<!tpu.dma_semaphore, #tpu.memory_space<semaphore_mem>>) src(%arg5 : memref<80x128xf32, #tpu.memory_space<vmem>>) dst(%dma_wait3A_326 : memref<10000x128xf32, #tpu.memory_space<vmem_shared>>)
        tpu.yield
      }) : () -> ()
      %mul3A_272 = arith.constant 3 : i32
      %mul3A_273 = arith.muli %mul3A_272, %scan3A_250 : i32
      %add3A_274 = arith.constant 1 : i32
      %add3A_275 = arith.addi %mul3A_273, %add3A_274 : i32
      %dma_wait3A_276 = arith.constant 0 : i32
      %dma_wait3A_277 = arith.constant 0 : i32
      %dma_wait3A_278 = tpu.memref_slice %arg2[%dma_wait3A_276, %dma_wait3A_277] : memref<10000x128xf32, #tpu.memory_space<hbm>> -> memref<10000x128xf32, #tpu.memory_space<hbm>>
      tpu.wait_indirect_dma semaphore(%arg14 : memref<!tpu.dma_semaphore, #tpu.memory_space<semaphore_mem>>) src(%dma_wait3A_278 : memref<10000x128xf32, #tpu.memory_space<hbm>>) dst(%arg6 : memref<80x128xf32, #tpu.memory_space<vmem>>)
      %add3A_279 = arith.constant 3 : i32
      %add3A_280 = arith.addi %add3A_275, %add3A_279 : i32
      %lt3A_281 = arith.constant 125 : i32
      %lt3A_282 = arith.cmpi slt, %add3A_280, %lt3A_281 : i32
      %convert_element_type3A_283 = arith.extui %lt3A_282 : i1 to i32
      %cond3A_284 = arith.constant 0 : i32
      %cond3A_285 = arith.cmpi ne, %convert_element_type3A_283, %cond3A_284 : i32
      scf.if %cond3A_285 {
        %add3A_314 = arith.constant 3 : i32
        %add3A_315 = arith.addi %add3A_275, %add3A_314 : i32
        %mul3A_316 = arith.constant 80 : i32
        %mul3A_317 = arith.muli %add3A_315, %mul3A_316 : i32
        %add3A_318 = arith.addi %mul3A_2, %mul3A_317 : i32
        %dma_start3A_319 = tpu.memref_slice %arg3[%add3A_318] : memref<640000xi32, #tpu.memory_space<hbm>> -> memref<80xi32, #tpu.memory_space<hbm>>
        %dma_start3A_320 = tpu.memref_slice %arg3[%add3A_318] : memref<640000xi32, #tpu.memory_space<hbm>> -> memref<80xi32, #tpu.memory_space<hbm>>
        tpu.enqueue_dma source(%dma_start3A_320 : memref<80xi32, #tpu.memory_space<hbm>>) target(%arg9 : memref<80xi32, #tpu.memory_space<vmem>>) target_semaphore(%arg17 : memref<!tpu.dma_semaphore, #tpu.memory_space<semaphore_mem>>)
      } else {
      }
      %dma_wait3A_286 = arith.constant 0 : i32
      %dma_wait3A_287 = tpu.memref_slice %arg3[%dma_wait3A_286] : memref<640000xi32, #tpu.memory_space<hbm>> -> memref<80xi32, #tpu.memory_space<hbm>>
      %dma_wait3A_288 = arith.constant 0 : i32
      %dma_wait3A_289 = tpu.memref_slice %arg3[%dma_wait3A_288] : memref<640000xi32, #tpu.memory_space<hbm>> -> memref<80xi32, #tpu.memory_space<hbm>>
      tpu.wait_dma2 semaphore(%arg16 : memref<!tpu.dma_semaphore, #tpu.memory_space<semaphore_mem>>) src(%dma_wait3A_289 : memref<80xi32, #tpu.memory_space<hbm>>) dst(%arg8 : memref<80xi32, #tpu.memory_space<vmem>>)
      %dma_start3A_290 = arith.constant 0 : i32
      %dma_start3A_291 = arith.constant 0 : i32
      %dma_start3A_292 = tpu.memref_slice %arg2[%dma_start3A_290, %dma_start3A_291] : memref<10000x128xf32, #tpu.memory_space<hbm>> -> memref<10000x128xf32, #tpu.memory_space<hbm>>
      tpu.enqueue_indirect_dma source(%dma_start3A_292 : memref<10000x128xf32, #tpu.memory_space<hbm>>) target(%arg5 : memref<80x128xf32, #tpu.memory_space<vmem>>) offsets(%arg8 : memref<80xi32, #tpu.memory_space<vmem>>) semaphore(%arg13 : memref<!tpu.dma_semaphore, #tpu.memory_space<semaphore_mem>>)
      "tpu.region"() ({
        %run_scoped3A_314 = tpu.sem_alloc : memref<!tpu.dma_semaphore, #tpu.memory_space<semaphore_mem>>
        %dma_start3A_315 = arith.constant 0 : i32
        %dma_start3A_316 = tpu.memref_slice %arg11[%add3A_275, %dma_start3A_315] : memref<125x80xi32, #tpu.memory_space<vmem>> -> memref<1x80xi32, #tpu.memory_space<vmem>>
        %dma_start3A_317 = tpu.memref_squeeze %dma_start3A_316 : memref<1x80xi32, #tpu.memory_space<vmem>> -> memref<80xi32, #tpu.memory_space<vmem>>
        %dma_start3A_318 = arith.constant 0 : i32
        %dma_start3A_319 = arith.constant 0 : i32
        %dma_start3A_320 = tpu.memref_slice %arg12[%dma_start3A_318, %dma_start3A_319] : memref<10000x128xf32, #tpu.memory_space<vmem_shared>> -> memref<10000x128xf32, #tpu.memory_space<vmem_shared>>
        tpu.enqueue_indirect_dma source(%arg6 : memref<80x128xf32, #tpu.memory_space<vmem>>) target(%dma_start3A_320 : memref<10000x128xf32, #tpu.memory_space<vmem_shared>>) offsets(%dma_start3A_317 : memref<80xi32, #tpu.memory_space<vmem>>) semaphore(%run_scoped3A_314 : memref<!tpu.dma_semaphore, #tpu.memory_space<semaphore_mem>>) {add = true}
        %dma_wait3A_321 = arith.constant 0 : i32
        %dma_wait3A_322 = tpu.memref_slice %arg11[%add3A_275, %dma_wait3A_321] : memref<125x80xi32, #tpu.memory_space<vmem>> -> memref<1x80xi32, #tpu.memory_space<vmem>>
        %dma_wait3A_323 = tpu.memref_squeeze %dma_wait3A_322 : memref<1x80xi32, #tpu.memory_space<vmem>> -> memref<80xi32, #tpu.memory_space<vmem>>
        %dma_wait3A_324 = arith.constant 0 : i32
        %dma_wait3A_325 = arith.constant 0 : i32
        %dma_wait3A_326 = tpu.memref_slice %arg12[%dma_wait3A_324, %dma_wait3A_325] : memref<10000x128xf32, #tpu.memory_space<vmem_shared>> -> memref<10000x128xf32, #tpu.memory_space<vmem_shared>>
        tpu.wait_indirect_dma semaphore(%run_scoped3A_314 : memref<!tpu.dma_semaphore, #tpu.memory_space<semaphore_mem>>) src(%arg6 : memref<80x128xf32, #tpu.memory_space<vmem>>) dst(%dma_wait3A_326 : memref<10000x128xf32, #tpu.memory_space<vmem_shared>>)
        tpu.yield
      }) : () -> ()
      %mul3A_293 = arith.constant 3 : i32
      %mul3A_294 = arith.muli %mul3A_293, %scan3A_250 : i32
      %add3A_295 = arith.constant 2 : i32
      %add3A_296 = arith.addi %mul3A_294, %add3A_295 : i32
      %dma_wait3A_297 = arith.constant 0 : i32
      %dma_wait3A_298 = arith.constant 0 : i32
      %dma_wait3A_299 = tpu.memref_slice %arg2[%dma_wait3A_297, %dma_wait3A_298] : memref<10000x128xf32, #tpu.memory_space<hbm>> -> memref<10000x128xf32, #tpu.memory_space<hbm>>
      tpu.wait_indirect_dma semaphore(%arg15 : memref<!tpu.dma_semaphore, #tpu.memory_space<semaphore_mem>>) src(%dma_wait3A_299 : memref<10000x128xf32, #tpu.memory_space<hbm>>) dst(%arg7 : memref<80x128xf32, #tpu.memory_space<vmem>>)
      %add3A_300 = arith.constant 3 : i32
      %add3A_301 = arith.addi %add3A_296, %add3A_300 : i32
      %lt3A_302 = arith.constant 125 : i32
      %lt3A_303 = arith.cmpi slt, %add3A_301, %lt3A_302 : i32
      %convert_element_type3A_304 = arith.extui %lt3A_303 : i1 to i32
      %cond3A_305 = arith.constant 0 : i32
      %cond3A_306 = arith.cmpi ne, %convert_element_type3A_304, %cond3A_305 : i32
      scf.if %cond3A_306 {
        %add3A_314 = arith.constant 3 : i32
        %add3A_315 = arith.addi %add3A_296, %add3A_314 : i32
        %mul3A_316 = arith.constant 80 : i32
        %mul3A_317 = arith.muli %add3A_315, %mul3A_316 : i32
        %add3A_318 = arith.addi %mul3A_2, %mul3A_317 : i32
        %dma_start3A_319 = tpu.memref_slice %arg3[%add3A_318] : memref<640000xi32, #tpu.memory_space<hbm>> -> memref<80xi32, #tpu.memory_space<hbm>>
        %dma_start3A_320 = tpu.memref_slice %arg3[%add3A_318] : memref<640000xi32, #tpu.memory_space<hbm>> -> memref<80xi32, #tpu.memory_space<hbm>>
        tpu.enqueue_dma source(%dma_start3A_320 : memref<80xi32, #tpu.memory_space<hbm>>) target(%arg10 : memref<80xi32, #tpu.memory_space<vmem>>) target_semaphore(%arg18 : memref<!tpu.dma_semaphore, #tpu.memory_space<semaphore_mem>>)
      } else {
      }
      %dma_wait3A_307 = arith.constant 0 : i32
      %dma_wait3A_308 = tpu.memref_slice %arg3[%dma_wait3A_307] : memref<640000xi32, #tpu.memory_space<hbm>> -> memref<80xi32, #tpu.memory_space<hbm>>
      %dma_wait3A_309 = arith.constant 0 : i32
      %dma_wait3A_310 = tpu.memref_slice %arg3[%dma_wait3A_309] : memref<640000xi32, #tpu.memory_space<hbm>> -> memref<80xi32, #tpu.memory_space<hbm>>
      tpu.wait_dma2 semaphore(%arg17 : memref<!tpu.dma_semaphore, #tpu.memory_space<semaphore_mem>>) src(%dma_wait3A_310 : memref<80xi32, #tpu.memory_space<hbm>>) dst(%arg9 : memref<80xi32, #tpu.memory_space<vmem>>)
      %dma_start3A_311 = arith.constant 0 : i32
      %dma_start3A_312 = arith.constant 0 : i32
      %dma_start3A_313 = tpu.memref_slice %arg2[%dma_start3A_311, %dma_start3A_312] : memref<10000x128xf32, #tpu.memory_space<hbm>> -> memref<10000x128xf32, #tpu.memory_space<hbm>>
      tpu.enqueue_indirect_dma source(%dma_start3A_313 : memref<10000x128xf32, #tpu.memory_space<hbm>>) target(%arg6 : memref<80x128xf32, #tpu.memory_space<vmem>>) offsets(%arg9 : memref<80xi32, #tpu.memory_space<vmem>>) semaphore(%arg14 : memref<!tpu.dma_semaphore, #tpu.memory_space<semaphore_mem>>)
      "tpu.region"() ({
        %run_scoped3A_314 = tpu.sem_alloc : memref<!tpu.dma_semaphore, #tpu.memory_space<semaphore_mem>>
        %dma_start3A_315 = arith.constant 0 : i32
        %dma_start3A_316 = tpu.memref_slice %arg11[%add3A_296, %dma_start3A_315] : memref<125x80xi32, #tpu.memory_space<vmem>> -> memref<1x80xi32, #tpu.memory_space<vmem>>
        %dma_start3A_317 = tpu.memref_squeeze %dma_start3A_316 : memref<1x80xi32, #tpu.memory_space<vmem>> -> memref<80xi32, #tpu.memory_space<vmem>>
        %dma_start3A_318 = arith.constant 0 : i32
        %dma_start3A_319 = arith.constant 0 : i32
        %dma_start3A_320 = tpu.memref_slice %arg12[%dma_start3A_318, %dma_start3A_319] : memref<10000x128xf32, #tpu.memory_space<vmem_shared>> -> memref<10000x128xf32, #tpu.memory_space<vmem_shared>>
        tpu.enqueue_indirect_dma source(%arg7 : memref<80x128xf32, #tpu.memory_space<vmem>>) target(%dma_start3A_320 : memref<10000x128xf32, #tpu.memory_space<vmem_shared>>) offsets(%dma_start3A_317 : memref<80xi32, #tpu.memory_space<vmem>>) semaphore(%run_scoped3A_314 : memref<!tpu.dma_semaphore, #tpu.memory_space<semaphore_mem>>) {add = true}
        %dma_wait3A_321 = arith.constant 0 : i32
        %dma_wait3A_322 = tpu.memref_slice %arg11[%add3A_296, %dma_wait3A_321] : memref<125x80xi32, #tpu.memory_space<vmem>> -> memref<1x80xi32, #tpu.memory_space<vmem>>
        %dma_wait3A_323 = tpu.memref_squeeze %dma_wait3A_322 : memref<1x80xi32, #tpu.memory_space<vmem>> -> memref<80xi32, #tpu.memory_space<vmem>>
        %dma_wait3A_324 = arith.constant 0 : i32
        %dma_wait3A_325 = arith.constant 0 : i32
        %dma_wait3A_326 = tpu.memref_slice %arg12[%dma_wait3A_324, %dma_wait3A_325] : memref<10000x128xf32, #tpu.memory_space<vmem_shared>> -> memref<10000x128xf32, #tpu.memory_space<vmem_shared>>
        tpu.wait_indirect_dma semaphore(%run_scoped3A_314 : memref<!tpu.dma_semaphore, #tpu.memory_space<semaphore_mem>>) src(%arg7 : memref<80x128xf32, #tpu.memory_space<vmem>>) dst(%dma_wait3A_326 : memref<10000x128xf32, #tpu.memory_space<vmem_shared>>)
        tpu.yield
      }) : () -> ()
    }
    %scan3A_134 = arith.constant 41 : i32
    %dma_wait3A_135 = arith.constant 0 : i32
    %dma_wait3A_136 = arith.constant 0 : i32
    %dma_wait3A_137 = tpu.memref_slice %arg2[%dma_wait3A_135, %dma_wait3A_136] : memref<10000x128xf32, #tpu.memory_space<hbm>> -> memref<10000x128xf32, #tpu.memory_space<hbm>>
    tpu.wait_indirect_dma semaphore(%arg13 : memref<!tpu.dma_semaphore, #tpu.memory_space<semaphore_mem>>) src(%dma_wait3A_137 : memref<10000x128xf32, #tpu.memory_space<hbm>>) dst(%arg5 : memref<80x128xf32, #tpu.memory_space<vmem>>)
    %run_scoped3A = arith.constant 123 : i32
    "tpu.region"() ({
      %run_scoped3A_250 = tpu.sem_alloc : memref<!tpu.dma_semaphore, #tpu.memory_space<semaphore_mem>>
      %dma_start3A_251 = arith.constant 0 : i32
      %dma_start3A_252 = tpu.memref_slice %arg11[%run_scoped3A, %dma_start3A_251] : memref<125x80xi32, #tpu.memory_space<vmem>> -> memref<1x80xi32, #tpu.memory_space<vmem>>
      %dma_start3A_253 = tpu.memref_squeeze %dma_start3A_252 : memref<1x80xi32, #tpu.memory_space<vmem>> -> memref<80xi32, #tpu.memory_space<vmem>>
      %dma_start3A_254 = arith.constant 0 : i32
      %dma_start3A_255 = arith.constant 0 : i32
      %dma_start3A_256 = tpu.memref_slice %arg12[%dma_start3A_254, %dma_start3A_255] : memref<10000x128xf32, #tpu.memory_space<vmem_shared>> -> memref<10000x128xf32, #tpu.memory_space<vmem_shared>>
      tpu.enqueue_indirect_dma source(%arg5 : memref<80x128xf32, #tpu.memory_space<vmem>>) target(%dma_start3A_256 : memref<10000x128xf32, #tpu.memory_space<vmem_shared>>) offsets(%dma_start3A_253 : memref<80xi32, #tpu.memory_space<vmem>>) semaphore(%run_scoped3A_250 : memref<!tpu.dma_semaphore, #tpu.memory_space<semaphore_mem>>) {add = true}
      %dma_wait3A_257 = arith.constant 0 : i32
      %dma_wait3A_258 = tpu.memref_slice %arg11[%run_scoped3A, %dma_wait3A_257] : memref<125x80xi32, #tpu.memory_space<vmem>> -> memref<1x80xi32, #tpu.memory_space<vmem>>
      %dma_wait3A_259 = tpu.memref_squeeze %dma_wait3A_258 : memref<1x80xi32, #tpu.memory_space<vmem>> -> memref<80xi32, #tpu.memory_space<vmem>>
      %dma_wait3A_260 = arith.constant 0 : i32
      %dma_wait3A_261 = arith.constant 0 : i32
      %dma_wait3A_262 = tpu.memref_slice %arg12[%dma_wait3A_260, %dma_wait3A_261] : memref<10000x128xf32, #tpu.memory_space<vmem_shared>> -> memref<10000x128xf32, #tpu.memory_space<vmem_shared>>
      tpu.wait_indirect_dma semaphore(%run_scoped3A_250 : memref<!tpu.dma_semaphore, #tpu.memory_space<semaphore_mem>>) src(%arg5 : memref<80x128xf32, #tpu.memory_space<vmem>>) dst(%dma_wait3A_262 : memref<10000x128xf32, #tpu.memory_space<vmem_shared>>)
      tpu.yield
    }) : () -> ()
    %dma_wait3A_138 = arith.constant 0 : i32
    %dma_wait3A_139 = arith.constant 0 : i32
    %dma_wait3A_140 = tpu.memref_slice %arg2[%dma_wait3A_138, %dma_wait3A_139] : memref<10000x128xf32, #tpu.memory_space<hbm>> -> memref<10000x128xf32, #tpu.memory_space<hbm>>
    tpu.wait_indirect_dma semaphore(%arg14 : memref<!tpu.dma_semaphore, #tpu.memory_space<semaphore_mem>>) src(%dma_wait3A_140 : memref<10000x128xf32, #tpu.memory_space<hbm>>) dst(%arg6 : memref<80x128xf32, #tpu.memory_space<vmem>>)
    %run_scoped3A_141 = arith.constant 124 : i32
    "tpu.region"() ({
      %run_scoped3A_250 = tpu.sem_alloc : memref<!tpu.dma_semaphore, #tpu.memory_space<semaphore_mem>>
      %dma_start3A_251 = arith.constant 0 : i32
      %dma_start3A_252 = tpu.memref_slice %arg11[%run_scoped3A_141, %dma_start3A_251] : memref<125x80xi32, #tpu.memory_space<vmem>> -> memref<1x80xi32, #tpu.memory_space<vmem>>
      %dma_start3A_253 = tpu.memref_squeeze %dma_start3A_252 : memref<1x80xi32, #tpu.memory_space<vmem>> -> memref<80xi32, #tpu.memory_space<vmem>>
      %dma_start3A_254 = arith.constant 0 : i32
      %dma_start3A_255 = arith.constant 0 : i32
      %dma_start3A_256 = tpu.memref_slice %arg12[%dma_start3A_254, %dma_start3A_255] : memref<10000x128xf32, #tpu.memory_space<vmem_shared>> -> memref<10000x128xf32, #tpu.memory_space<vmem_shared>>
      tpu.enqueue_indirect_dma source(%arg6 : memref<80x128xf32, #tpu.memory_space<vmem>>) target(%dma_start3A_256 : memref<10000x128xf32, #tpu.memory_space<vmem_shared>>) offsets(%dma_start3A_253 : memref<80xi32, #tpu.memory_space<vmem>>) semaphore(%run_scoped3A_250 : memref<!tpu.dma_semaphore, #tpu.memory_space<semaphore_mem>>) {add = true}
      %dma_wait3A_257 = arith.constant 0 : i32
      %dma_wait3A_258 = tpu.memref_slice %arg11[%run_scoped3A_141, %dma_wait3A_257] : memref<125x80xi32, #tpu.memory_space<vmem>> -> memref<1x80xi32, #tpu.memory_space<vmem>>
      %dma_wait3A_259 = tpu.memref_squeeze %dma_wait3A_258 : memref<1x80xi32, #tpu.memory_space<vmem>> -> memref<80xi32, #tpu.memory_space<vmem>>
      %dma_wait3A_260 = arith.constant 0 : i32
      %dma_wait3A_261 = arith.constant 0 : i32
      %dma_wait3A_262 = tpu.memref_slice %arg12[%dma_wait3A_260, %dma_wait3A_261] : memref<10000x128xf32, #tpu.memory_space<vmem_shared>> -> memref<10000x128xf32, #tpu.memory_space<vmem_shared>>
      tpu.wait_indirect_dma semaphore(%run_scoped3A_250 : memref<!tpu.dma_semaphore, #tpu.memory_space<semaphore_mem>>) src(%arg6 : memref<80x128xf32, #tpu.memory_space<vmem>>) dst(%dma_wait3A_262 : memref<10000x128xf32, #tpu.memory_space<vmem_shared>>)
      tpu.yield
    }) : () -> ()
    %barrier3A_142 = arith.constant 0 : index
    tpu.barrier barrier_id(%barrier3A_142)
    %add3A_143 = arith.constant 0 : i32
    %add3A_144 = arith.addi %arg1, %add3A_143 : i32
    %mul3A_145 = arith.constant 80 : i32
    %mul3A_146 = arith.muli %add3A_144, %mul3A_145 : i32
    %dma_start3A_147 = arith.constant 0 : i32
    %dma_start3A_148 = tpu.memref_slice %arg4[%arg0, %mul3A_146, %dma_start3A_147] : memref<2x10000x128xf32, #tpu.memory_space<hbm>> -> memref<1x80x128xf32, #tpu.memory_space<hbm>>
    %dma_start3A_149 = tpu.memref_squeeze %dma_start3A_148 : memref<1x80x128xf32, #tpu.memory_space<hbm>> -> memref<80x128xf32, #tpu.memory_space<hbm>>
    %dma_start3A_150 = arith.constant 0 : i32
    %dma_start3A_151 = tpu.memref_slice %arg12[%mul3A_146, %dma_start3A_150] : memref<10000x128xf32, #tpu.memory_space<vmem_shared>> -> memref<80x128xf32, #tpu.memory_space<vmem_shared>>
    tpu.enqueue_dma source(%dma_start3A_151 : memref<80x128xf32, #tpu.memory_space<vmem_shared>>) target(%dma_start3A_149 : memref<80x128xf32, #tpu.memory_space<hbm>>) target_semaphore(%arg19 : memref<!tpu.dma_semaphore, #tpu.memory_space<semaphore_mem>>)
    %add3A_152 = arith.constant 16 : i32
    %add3A_153 = arith.addi %arg1, %add3A_152 : i32
    %mul3A_154 = arith.constant 80 : i32
    %mul3A_155 = arith.muli %add3A_153, %mul3A_154 : i32
    %dma_start3A_156 = arith.constant 0 : i32
    %dma_start3A_157 = tpu.memref_slice %arg4[%arg0, %mul3A_155, %dma_start3A_156] : memref<2x10000x128xf32, #tpu.memory_space<hbm>> -> memref<1x80x128xf32, #tpu.memory_space<hbm>>
    %dma_start3A_158 = tpu.memref_squeeze %dma_start3A_157 : memref<1x80x128xf32, #tpu.memory_space<hbm>> -> memref<80x128xf32, #tpu.memory_space<hbm>>
    %dma_start3A_159 = arith.constant 0 : i32
    %dma_start3A_160 = tpu.memref_slice %arg12[%mul3A_155, %dma_start3A_159] : memref<10000x128xf32, #tpu.memory_space<vmem_shared>> -> memref<80x128xf32, #tpu.memory_space<vmem_shared>>
    tpu.enqueue_dma source(%dma_start3A_160 : memref<80x128xf32, #tpu.memory_space<vmem_shared>>) target(%dma_start3A_158 : memref<80x128xf32, #tpu.memory_space<hbm>>) target_semaphore(%arg19 : memref<!tpu.dma_semaphore, #tpu.memory_space<semaphore_mem>>)
    %add3A_161 = arith.constant 32 : i32
    %add3A_162 = arith.addi %arg1, %add3A_161 : i32
    %mul3A_163 = arith.constant 80 : i32
    %mul3A_164 = arith.muli %add3A_162, %mul3A_163 : i32
    %dma_start3A_165 = arith.constant 0 : i32
    %dma_start3A_166 = tpu.memref_slice %arg4[%arg0, %mul3A_164, %dma_start3A_165] : memref<2x10000x128xf32, #tpu.memory_space<hbm>> -> memref<1x80x128xf32, #tpu.memory_space<hbm>>
    %dma_start3A_167 = tpu.memref_squeeze %dma_start3A_166 : memref<1x80x128xf32, #tpu.memory_space<hbm>> -> memref<80x128xf32, #tpu.memory_space<hbm>>
    %dma_start3A_168 = arith.constant 0 : i32
    %dma_start3A_169 = tpu.memref_slice %arg12[%mul3A_164, %dma_start3A_168] : memref<10000x128xf32, #tpu.memory_space<vmem_shared>> -> memref<80x128xf32, #tpu.memory_space<vmem_shared>>
    tpu.enqueue_dma source(%dma_start3A_169 : memref<80x128xf32, #tpu.memory_space<vmem_shared>>) target(%dma_start3A_167 : memref<80x128xf32, #tpu.memory_space<hbm>>) target_semaphore(%arg19 : memref<!tpu.dma_semaphore, #tpu.memory_space<semaphore_mem>>)
    %add3A_170 = arith.constant 48 : i32
    %add3A_171 = arith.addi %arg1, %add3A_170 : i32
    %mul3A_172 = arith.constant 80 : i32
    %mul3A_173 = arith.muli %add3A_171, %mul3A_172 : i32
    %dma_start3A_174 = arith.constant 0 : i32
    %dma_start3A_175 = tpu.memref_slice %arg4[%arg0, %mul3A_173, %dma_start3A_174] : memref<2x10000x128xf32, #tpu.memory_space<hbm>> -> memref<1x80x128xf32, #tpu.memory_space<hbm>>
    %dma_start3A_176 = tpu.memref_squeeze %dma_start3A_175 : memref<1x80x128xf32, #tpu.memory_space<hbm>> -> memref<80x128xf32, #tpu.memory_space<hbm>>
    %dma_start3A_177 = arith.constant 0 : i32
    %dma_start3A_178 = tpu.memref_slice %arg12[%mul3A_173, %dma_start3A_177] : memref<10000x128xf32, #tpu.memory_space<vmem_shared>> -> memref<80x128xf32, #tpu.memory_space<vmem_shared>>
    tpu.enqueue_dma source(%dma_start3A_178 : memref<80x128xf32, #tpu.memory_space<vmem_shared>>) target(%dma_start3A_176 : memref<80x128xf32, #tpu.memory_space<hbm>>) target_semaphore(%arg19 : memref<!tpu.dma_semaphore, #tpu.memory_space<semaphore_mem>>)
    %add3A_179 = arith.constant 64 : i32
    %add3A_180 = arith.addi %arg1, %add3A_179 : i32
    %mul3A_181 = arith.constant 80 : i32
    %mul3A_182 = arith.muli %add3A_180, %mul3A_181 : i32
    %dma_start3A_183 = arith.constant 0 : i32
    %dma_start3A_184 = tpu.memref_slice %arg4[%arg0, %mul3A_182, %dma_start3A_183] : memref<2x10000x128xf32, #tpu.memory_space<hbm>> -> memref<1x80x128xf32, #tpu.memory_space<hbm>>
    %dma_start3A_185 = tpu.memref_squeeze %dma_start3A_184 : memref<1x80x128xf32, #tpu.memory_space<hbm>> -> memref<80x128xf32, #tpu.memory_space<hbm>>
    %dma_start3A_186 = arith.constant 0 : i32
    %dma_start3A_187 = tpu.memref_slice %arg12[%mul3A_182, %dma_start3A_186] : memref<10000x128xf32, #tpu.memory_space<vmem_shared>> -> memref<80x128xf32, #tpu.memory_space<vmem_shared>>
    tpu.enqueue_dma source(%dma_start3A_187 : memref<80x128xf32, #tpu.memory_space<vmem_shared>>) target(%dma_start3A_185 : memref<80x128xf32, #tpu.memory_space<hbm>>) target_semaphore(%arg19 : memref<!tpu.dma_semaphore, #tpu.memory_space<semaphore_mem>>)
    %add3A_188 = arith.constant 80 : i32
    %add3A_189 = arith.addi %arg1, %add3A_188 : i32
    %mul3A_190 = arith.constant 80 : i32
    %mul3A_191 = arith.muli %add3A_189, %mul3A_190 : i32
    %dma_start3A_192 = arith.constant 0 : i32
    %dma_start3A_193 = tpu.memref_slice %arg4[%arg0, %mul3A_191, %dma_start3A_192] : memref<2x10000x128xf32, #tpu.memory_space<hbm>> -> memref<1x80x128xf32, #tpu.memory_space<hbm>>
    %dma_start3A_194 = tpu.memref_squeeze %dma_start3A_193 : memref<1x80x128xf32, #tpu.memory_space<hbm>> -> memref<80x128xf32, #tpu.memory_space<hbm>>
    %dma_start3A_195 = arith.constant 0 : i32
    %dma_start3A_196 = tpu.memref_slice %arg12[%mul3A_191, %dma_start3A_195] : memref<10000x128xf32, #tpu.memory_space<vmem_shared>> -> memref<80x128xf32, #tpu.memory_space<vmem_shared>>
    tpu.enqueue_dma source(%dma_start3A_196 : memref<80x128xf32, #tpu.memory_space<vmem_shared>>) target(%dma_start3A_194 : memref<80x128xf32, #tpu.memory_space<hbm>>) target_semaphore(%arg19 : memref<!tpu.dma_semaphore, #tpu.memory_space<semaphore_mem>>)
    %add3A_197 = arith.constant 96 : i32
    %add3A_198 = arith.addi %arg1, %add3A_197 : i32
    %mul3A_199 = arith.constant 80 : i32
    %mul3A_200 = arith.muli %add3A_198, %mul3A_199 : i32
    %dma_start3A_201 = arith.constant 0 : i32
    %dma_start3A_202 = tpu.memref_slice %arg4[%arg0, %mul3A_200, %dma_start3A_201] : memref<2x10000x128xf32, #tpu.memory_space<hbm>> -> memref<1x80x128xf32, #tpu.memory_space<hbm>>
    %dma_start3A_203 = tpu.memref_squeeze %dma_start3A_202 : memref<1x80x128xf32, #tpu.memory_space<hbm>> -> memref<80x128xf32, #tpu.memory_space<hbm>>
    %dma_start3A_204 = arith.constant 0 : i32
    %dma_start3A_205 = tpu.memref_slice %arg12[%mul3A_200, %dma_start3A_204] : memref<10000x128xf32, #tpu.memory_space<vmem_shared>> -> memref<80x128xf32, #tpu.memory_space<vmem_shared>>
    tpu.enqueue_dma source(%dma_start3A_205 : memref<80x128xf32, #tpu.memory_space<vmem_shared>>) target(%dma_start3A_203 : memref<80x128xf32, #tpu.memory_space<hbm>>) target_semaphore(%arg19 : memref<!tpu.dma_semaphore, #tpu.memory_space<semaphore_mem>>)
    %add3A_206 = arith.constant 112 : i32
    %add3A_207 = arith.addi %arg1, %add3A_206 : i32
    %min3A_208 = arith.constant 124 : i32
    %min3A_209 = arith.minsi %add3A_207, %min3A_208 : i32
    %lt3A_210 = arith.constant 125 : i32
    %lt3A_211 = arith.cmpi slt, %add3A_207, %lt3A_210 : i32
    %convert_element_type3A_212 = arith.extui %lt3A_211 : i1 to i32
    %cond3A_213 = arith.constant 0 : i32
    %cond3A_214 = arith.cmpi ne, %convert_element_type3A_212, %cond3A_213 : i32
    scf.if %cond3A_214 {
      %mul3A_250 = arith.constant 80 : i32
      %mul3A_251 = arith.muli %min3A_209, %mul3A_250 : i32
      %dma_start3A_252 = arith.constant 0 : i32
      %dma_start3A_253 = tpu.memref_slice %arg4[%arg0, %mul3A_251, %dma_start3A_252] : memref<2x10000x128xf32, #tpu.memory_space<hbm>> -> memref<1x80x128xf32, #tpu.memory_space<hbm>>
      %dma_start3A_254 = tpu.memref_squeeze %dma_start3A_253 : memref<1x80x128xf32, #tpu.memory_space<hbm>> -> memref<80x128xf32, #tpu.memory_space<hbm>>
      %dma_start3A_255 = arith.constant 0 : i32
      %dma_start3A_256 = tpu.memref_slice %arg12[%mul3A_251, %dma_start3A_255] : memref<10000x128xf32, #tpu.memory_space<vmem_shared>> -> memref<80x128xf32, #tpu.memory_space<vmem_shared>>
      tpu.enqueue_dma source(%dma_start3A_256 : memref<80x128xf32, #tpu.memory_space<vmem_shared>>) target(%dma_start3A_254 : memref<80x128xf32, #tpu.memory_space<hbm>>) target_semaphore(%arg19 : memref<!tpu.dma_semaphore, #tpu.memory_space<semaphore_mem>>)
      %dma_wait3A_257 = arith.constant 0 : i32
      %dma_wait3A_258 = tpu.memref_slice %arg4[%arg0, %mul3A_251, %dma_wait3A_257] : memref<2x10000x128xf32, #tpu.memory_space<hbm>> -> memref<1x80x128xf32, #tpu.memory_space<hbm>>
      %dma_wait3A_259 = tpu.memref_squeeze %dma_wait3A_258 : memref<1x80x128xf32, #tpu.memory_space<hbm>> -> memref<80x128xf32, #tpu.memory_space<hbm>>
      %dma_wait3A_260 = arith.constant 0 : i32
      %dma_wait3A_261 = tpu.memref_slice %arg12[%mul3A_251, %dma_wait3A_260] : memref<10000x128xf32, #tpu.memory_space<vmem_shared>> -> memref<80x128xf32, #tpu.memory_space<vmem_shared>>
      tpu.wait_dma2 semaphore(%arg19 : memref<!tpu.dma_semaphore, #tpu.memory_space<semaphore_mem>>) src(%dma_wait3A_261 : memref<80x128xf32, #tpu.memory_space<vmem_shared>>) dst(%dma_wait3A_259 : memref<80x128xf32, #tpu.memory_space<hbm>>)
    } else {
    }
    %dma_wait3A_215 = arith.constant 0 : i32
    %dma_wait3A_216 = tpu.memref_slice %arg4[%arg0, %mul3A_146, %dma_wait3A_215] : memref<2x10000x128xf32, #tpu.memory_space<hbm>> -> memref<1x80x128xf32, #tpu.memory_space<hbm>>
    %dma_wait3A_217 = tpu.memref_squeeze %dma_wait3A_216 : memref<1x80x128xf32, #tpu.memory_space<hbm>> -> memref<80x128xf32, #tpu.memory_space<hbm>>
    %dma_wait3A_218 = arith.constant 0 : i32
    %dma_wait3A_219 = tpu.memref_slice %arg12[%mul3A_146, %dma_wait3A_218] : memref<10000x128xf32, #tpu.memory_space<vmem_shared>> -> memref<80x128xf32, #tpu.memory_space<vmem_shared>>
    tpu.wait_dma2 semaphore(%arg19 : memref<!tpu.dma_semaphore, #tpu.memory_space<semaphore_mem>>) src(%dma_wait3A_219 : memref<80x128xf32, #tpu.memory_space<vmem_shared>>) dst(%dma_wait3A_217 : memref<80x128xf32, #tpu.memory_space<hbm>>)
    %dma_wait3A_220 = arith.constant 0 : i32
    %dma_wait3A_221 = tpu.memref_slice %arg4[%arg0, %mul3A_155, %dma_wait3A_220] : memref<2x10000x128xf32, #tpu.memory_space<hbm>> -> memref<1x80x128xf32, #tpu.memory_space<hbm>>
    %dma_wait3A_222 = tpu.memref_squeeze %dma_wait3A_221 : memref<1x80x128xf32, #tpu.memory_space<hbm>> -> memref<80x128xf32, #tpu.memory_space<hbm>>
    %dma_wait3A_223 = arith.constant 0 : i32
    %dma_wait3A_224 = tpu.memref_slice %arg12[%mul3A_155, %dma_wait3A_223] : memref<10000x128xf32, #tpu.memory_space<vmem_shared>> -> memref<80x128xf32, #tpu.memory_space<vmem_shared>>
    tpu.wait_dma2 semaphore(%arg19 : memref<!tpu.dma_semaphore, #tpu.memory_space<semaphore_mem>>) src(%dma_wait3A_224 : memref<80x128xf32, #tpu.memory_space<vmem_shared>>) dst(%dma_wait3A_222 : memref<80x128xf32, #tpu.memory_space<hbm>>)
    %dma_wait3A_225 = arith.constant 0 : i32
    %dma_wait3A_226 = tpu.memref_slice %arg4[%arg0, %mul3A_164, %dma_wait3A_225] : memref<2x10000x128xf32, #tpu.memory_space<hbm>> -> memref<1x80x128xf32, #tpu.memory_space<hbm>>
    %dma_wait3A_227 = tpu.memref_squeeze %dma_wait3A_226 : memref<1x80x128xf32, #tpu.memory_space<hbm>> -> memref<80x128xf32, #tpu.memory_space<hbm>>
    %dma_wait3A_228 = arith.constant 0 : i32
    %dma_wait3A_229 = tpu.memref_slice %arg12[%mul3A_164, %dma_wait3A_228] : memref<10000x128xf32, #tpu.memory_space<vmem_shared>> -> memref<80x128xf32, #tpu.memory_space<vmem_shared>>
    tpu.wait_dma2 semaphore(%arg19 : memref<!tpu.dma_semaphore, #tpu.memory_space<semaphore_mem>>) src(%dma_wait3A_229 : memref<80x128xf32, #tpu.memory_space<vmem_shared>>) dst(%dma_wait3A_227 : memref<80x128xf32, #tpu.memory_space<hbm>>)
    %dma_wait3A_230 = arith.constant 0 : i32
    %dma_wait3A_231 = tpu.memref_slice %arg4[%arg0, %mul3A_173, %dma_wait3A_230] : memref<2x10000x128xf32, #tpu.memory_space<hbm>> -> memref<1x80x128xf32, #tpu.memory_space<hbm>>
    %dma_wait3A_232 = tpu.memref_squeeze %dma_wait3A_231 : memref<1x80x128xf32, #tpu.memory_space<hbm>> -> memref<80x128xf32, #tpu.memory_space<hbm>>
    %dma_wait3A_233 = arith.constant 0 : i32
    %dma_wait3A_234 = tpu.memref_slice %arg12[%mul3A_173, %dma_wait3A_233] : memref<10000x128xf32, #tpu.memory_space<vmem_shared>> -> memref<80x128xf32, #tpu.memory_space<vmem_shared>>
    tpu.wait_dma2 semaphore(%arg19 : memref<!tpu.dma_semaphore, #tpu.memory_space<semaphore_mem>>) src(%dma_wait3A_234 : memref<80x128xf32, #tpu.memory_space<vmem_shared>>) dst(%dma_wait3A_232 : memref<80x128xf32, #tpu.memory_space<hbm>>)
    %dma_wait3A_235 = arith.constant 0 : i32
    %dma_wait3A_236 = tpu.memref_slice %arg4[%arg0, %mul3A_182, %dma_wait3A_235] : memref<2x10000x128xf32, #tpu.memory_space<hbm>> -> memref<1x80x128xf32, #tpu.memory_space<hbm>>
    %dma_wait3A_237 = tpu.memref_squeeze %dma_wait3A_236 : memref<1x80x128xf32, #tpu.memory_space<hbm>> -> memref<80x128xf32, #tpu.memory_space<hbm>>
    %dma_wait3A_238 = arith.constant 0 : i32
    %dma_wait3A_239 = tpu.memref_slice %arg12[%mul3A_182, %dma_wait3A_238] : memref<10000x128xf32, #tpu.memory_space<vmem_shared>> -> memref<80x128xf32, #tpu.memory_space<vmem_shared>>
    tpu.wait_dma2 semaphore(%arg19 : memref<!tpu.dma_semaphore, #tpu.memory_space<semaphore_mem>>) src(%dma_wait3A_239 : memref<80x128xf32, #tpu.memory_space<vmem_shared>>) dst(%dma_wait3A_237 : memref<80x128xf32, #tpu.memory_space<hbm>>)
    %dma_wait3A_240 = arith.constant 0 : i32
    %dma_wait3A_241 = tpu.memref_slice %arg4[%arg0, %mul3A_191, %dma_wait3A_240] : memref<2x10000x128xf32, #tpu.memory_space<hbm>> -> memref<1x80x128xf32, #tpu.memory_space<hbm>>
    %dma_wait3A_242 = tpu.memref_squeeze %dma_wait3A_241 : memref<1x80x128xf32, #tpu.memory_space<hbm>> -> memref<80x128xf32, #tpu.memory_space<hbm>>
    %dma_wait3A_243 = arith.constant 0 : i32
    %dma_wait3A_244 = tpu.memref_slice %arg12[%mul3A_191, %dma_wait3A_243] : memref<10000x128xf32, #tpu.memory_space<vmem_shared>> -> memref<80x128xf32, #tpu.memory_space<vmem_shared>>
    tpu.wait_dma2 semaphore(%arg19 : memref<!tpu.dma_semaphore, #tpu.memory_space<semaphore_mem>>) src(%dma_wait3A_244 : memref<80x128xf32, #tpu.memory_space<vmem_shared>>) dst(%dma_wait3A_242 : memref<80x128xf32, #tpu.memory_space<hbm>>)
    %dma_wait3A_245 = arith.constant 0 : i32
    %dma_wait3A_246 = tpu.memref_slice %arg4[%arg0, %mul3A_200, %dma_wait3A_245] : memref<2x10000x128xf32, #tpu.memory_space<hbm>> -> memref<1x80x128xf32, #tpu.memory_space<hbm>>
    %dma_wait3A_247 = tpu.memref_squeeze %dma_wait3A_246 : memref<1x80x128xf32, #tpu.memory_space<hbm>> -> memref<80x128xf32, #tpu.memory_space<hbm>>
    %dma_wait3A_248 = arith.constant 0 : i32
    %dma_wait3A_249 = tpu.memref_slice %arg12[%mul3A_200, %dma_wait3A_248] : memref<10000x128xf32, #tpu.memory_space<vmem_shared>> -> memref<80x128xf32, #tpu.memory_space<vmem_shared>>
    tpu.wait_dma2 semaphore(%arg19 : memref<!tpu.dma_semaphore, #tpu.memory_space<semaphore_mem>>) src(%dma_wait3A_249 : memref<80x128xf32, #tpu.memory_space<vmem_shared>>) dst(%dma_wait3A_247 : memref<80x128xf32, #tpu.memory_space<hbm>>)
    return
  }
}

module attributes {stable_mosaic.version = 14 : i64} {
  func.func @_tc_body(%arg0: i32, %arg1: memref<1000x128xf32, #tpu.memory_space<vmem>>, %arg2: memref<2x1000x128xf32, #tpu.memory_space<vmem>>, %arg3: memref<2x1000x64xf32, #tpu.memory_space<vmem>>, %arg4: memref<64x128xf32, #tpu.memory_space<vmem>>, %arg5: memref<128x128xf32, #tpu.memory_space<vmem>>, %arg6: memref<1x128xf32, #tpu.memory_space<vmem>>, %arg7: memref<1000x128xf32, #tpu.memory_space<vmem>>) attributes {dimension_semantics = [#tpu.dimension_semantics<arbitrary>], iteration_bounds = array<i64: 10>, scalar_prefetch = 0 : i64, scratch_operands = 0 : i64, tpu.core_type = #tpu.core_type<tc>, window_params = [{transform_indices = @transform_0, window_bounds = array<i64: 1000, 128>}, {transform_indices = @transform_1, window_bounds = array<i64: 2, 1000, 128>}, {transform_indices = @transform_2, window_bounds = array<i64: 2, 1000, 64>}, {pipeline_mode = #tpu.pipeline_mode<synchronous>, transform_indices = @transform_3, window_bounds = array<i64: 64, 128>}, {pipeline_mode = #tpu.pipeline_mode<synchronous>, transform_indices = @transform_4, window_bounds = array<i64: 128, 128>}, {pipeline_mode = #tpu.pipeline_mode<synchronous>, transform_indices = @transform_5, window_bounds = array<i64: 1, 128>}, {transform_indices = @transform_6, window_bounds = array<i64: 1000, 128>}]} {
    %get3A = arith.constant 0 : index
    %get3A_0 = arith.constant 0 : index
    %get3A_1 = arith.constant 0 : index
    %get3A_2 = vector.load %arg2[%get3A, %get3A_0, %get3A_1] : memref<2x1000x128xf32, #tpu.memory_space<vmem>>, vector<1x1000x128xf32>
    %get3A_3 = vector.shape_cast %get3A_2 : vector<1x1000x128xf32> to vector<1000x128xf32>
    %get3A_4 = arith.constant 1 : index
    %get3A_5 = arith.constant 0 : index
    %get3A_6 = arith.constant 0 : index
    %get3A_7 = vector.load %arg2[%get3A_4, %get3A_5, %get3A_6] : memref<2x1000x128xf32, #tpu.memory_space<vmem>>, vector<1x1000x128xf32>
    %get3A_8 = vector.shape_cast %get3A_7 : vector<1x1000x128xf32> to vector<1000x128xf32>
    %add3A = arith.addf %get3A_3, %get3A_8 : vector<1000x128xf32>
    %get3A_9 = arith.constant 0 : index
    %get3A_10 = arith.constant 0 : index
    %get3A_11 = arith.constant 0 : index
    %get3A_12 = vector.load %arg3[%get3A_9, %get3A_10, %get3A_11] : memref<2x1000x64xf32, #tpu.memory_space<vmem>>, vector<1x1000x64xf32>
    %get3A_13 = vector.shape_cast %get3A_12 : vector<1x1000x64xf32> to vector<1000x64xf32>
    %get3A_14 = arith.constant 1 : index
    %get3A_15 = arith.constant 0 : index
    %get3A_16 = arith.constant 0 : index
    %get3A_17 = vector.load %arg3[%get3A_14, %get3A_15, %get3A_16] : memref<2x1000x64xf32, #tpu.memory_space<vmem>>, vector<1x1000x64xf32>
    %get3A_18 = vector.shape_cast %get3A_17 : vector<1x1000x64xf32> to vector<1000x64xf32>
    %add3A_19 = arith.addf %get3A_13, %get3A_18 : vector<1000x64xf32>
    %reduce_sum3A = arith.constant dense<0.000000e+00> : vector<1000xf32>
    %reduce_sum3A_20 = vector.multi_reduction <add>, %add3A_19, %reduce_sum3A [1] : vector<1000x64xf32> to vector<1000xf32>
    %broadcast_in_dim3A = vector.shape_cast %reduce_sum3A_20 : vector<1000xf32> to vector<1000x1xf32>
    %get3A_21 = arith.constant 0 : index
    %get3A_22 = arith.constant 0 : index
    %get3A_23 = vector.load %arg4[%get3A_21, %get3A_22] : memref<64x128xf32, #tpu.memory_space<vmem>>, vector<64x128xf32>
    %dot_general3A = arith.constant dense<0.000000e+00> : vector<1000x128xf32>
    %dot_general3A_24 = tpu.matmul %add3A_19, %get3A_23, %dot_general3A {dimension_numbers = #tpu.dot_dimension_numbers<[1], [0], [0], [1], [0, 0, 1, 1], [], []>, transpose_lhs_hint = false} : vector<1000x64xf32>, vector<64x128xf32>, vector<1000x128xf32> -> vector<1000x128xf32>
    %add3A_25 = arith.addf %add3A, %dot_general3A_24 : vector<1000x128xf32>
    %get3A_26 = arith.constant 0 : index
    %get3A_27 = arith.constant 0 : index
    %get3A_28 = vector.load %arg5[%get3A_26, %get3A_27] : memref<128x128xf32, #tpu.memory_space<vmem>>, vector<128x128xf32>
    %dot_general3A_29 = arith.constant dense<0.000000e+00> : vector<1000x128xf32>
    %dot_general3A_30 = tpu.matmul %add3A_25, %get3A_28, %dot_general3A_29 {dimension_numbers = #tpu.dot_dimension_numbers<[1], [1], [0], [0], [0, 0, 1, 0], [], []>, transpose_lhs_hint = false} : vector<1000x128xf32>, vector<128x128xf32>, vector<1000x128xf32> -> vector<1000x128xf32>
    %get3A_31 = arith.constant 0 : index
    %get3A_32 = arith.constant 0 : index
    %get3A_33 = vector.load %arg6[%get3A_31, %get3A_32] : memref<1x128xf32, #tpu.memory_space<vmem>>, vector<1x128xf32>
    %mul3A = vector.broadcast %broadcast_in_dim3A : vector<1000x1xf32> to vector<1000x128xf32>
    %mul3A_34 = vector.broadcast %get3A_33 : vector<1x128xf32> to vector<1000x128xf32>
    %mul3A_35 = arith.mulf %mul3A, %mul3A_34 : vector<1000x128xf32>
    %add3A_36 = arith.addf %dot_general3A_30, %mul3A_35 : vector<1000x128xf32>
    %max3A = arith.constant 1.000000e+00 : f32
    %max3A_37 = vector.broadcast %max3A : f32 to vector<1000x1xf32>
    %max3A_38 = arith.maximumf %broadcast_in_dim3A, %max3A_37 : vector<1000x1xf32>
    %div3A = vector.broadcast %max3A_38 : vector<1000x1xf32> to vector<1000x128xf32>
    %div3A_39 = arith.divf %add3A_36, %div3A : vector<1000x128xf32>
    %get3A_40 = arith.constant 0 : index
    %get3A_41 = arith.constant 0 : index
    %get3A_42 = vector.load %arg1[%get3A_40, %get3A_41] : memref<1000x128xf32, #tpu.memory_space<vmem>>, vector<1000x128xf32>
    %add3A_43 = arith.addf %get3A_42, %div3A_39 : vector<1000x128xf32>
    %swap3A = arith.constant 0 : index
    %swap3A_44 = arith.constant 0 : index
    %swap3A_45 = vector.load %arg7[%swap3A, %swap3A_44] : memref<1000x128xf32, #tpu.memory_space<vmem>>, vector<1000x128xf32>
    tpu.vector_store %arg7[%swap3A, %swap3A_44], %add3A_43 {strides = array<i32>} : memref<1000x128xf32, #tpu.memory_space<vmem>>, vector<1000x128xf32>,
    return
  }
  func.func @transform_0(%arg0: i32) -> (i32, i32) {
    %c0_i32 = arith.constant 0 : i32
    %c0_i32_0 = arith.constant 0 : i32
    return %arg0, %c0_i32 : i32, i32
  }
  func.func @transform_1(%arg0: i32) -> (i32, i32, i32) {
    %c0_i32 = arith.constant 0 : i32
    %c0_i32_0 = arith.constant 0 : i32
    %c0_i32_1 = arith.constant 0 : i32
    return %c0_i32, %arg0, %c0_i32_0 : i32, i32, i32
  }
  func.func @transform_2(%arg0: i32) -> (i32, i32, i32) {
    %c0_i32 = arith.constant 0 : i32
    %c0_i32_0 = arith.constant 0 : i32
    %c0_i32_1 = arith.constant 0 : i32
    return %c0_i32, %arg0, %c0_i32_0 : i32, i32, i32
  }
  func.func @transform_3(%arg0: i32) -> (i32, i32) {
    %c0_i32 = arith.constant 0 : i32
    %c0_i32_0 = arith.constant 0 : i32
    %c0_i32_1 = arith.constant 0 : i32
    return %c0_i32, %c0_i32_0 : i32, i32
  }
  func.func @transform_4(%arg0: i32) -> (i32, i32) {
    %c0_i32 = arith.constant 0 : i32
    %c0_i32_0 = arith.constant 0 : i32
    %c0_i32_1 = arith.constant 0 : i32
    return %c0_i32, %c0_i32_0 : i32, i32
  }
  func.func @transform_5(%arg0: i32) -> (i32, i32) {
    %c0_i32 = arith.constant 0 : i32
    %c0_i32_0 = arith.constant 0 : i32
    %c0_i32_1 = arith.constant 0 : i32
    return %c0_i32, %c0_i32_0 : i32, i32
  }
  func.func @transform_6(%arg0: i32) -> (i32, i32) {
    %c0_i32 = arith.constant 0 : i32
    %c0_i32_0 = arith.constant 0 : i32
    return %arg0, %c0_i32 : i32, i32
  }
}

module attributes {stable_mosaic.version = 14 : i64} {
  func.func @_tc_self_body(%arg0: i32, %arg1: memref<1000x128xf32, #tpu.memory_space<vmem>>, %arg2: memref<128x128xf32, #tpu.memory_space<vmem>>, %arg3: memref<1x128xf32, #tpu.memory_space<vmem>>, %arg4: memref<1000x128xf32, #tpu.memory_space<vmem>>) attributes {dimension_semantics = [#tpu.dimension_semantics<arbitrary>], iteration_bounds = array<i64: 10>, scalar_prefetch = 0 : i64, scratch_operands = 0 : i64, tpu.core_type = #tpu.core_type<tc>, window_params = [{transform_indices = @transform_0, window_bounds = array<i64: 1000, 128>}, {pipeline_mode = #tpu.pipeline_mode<synchronous>, transform_indices = @transform_1, window_bounds = array<i64: 128, 128>}, {pipeline_mode = #tpu.pipeline_mode<synchronous>, transform_indices = @transform_2, window_bounds = array<i64: 1, 128>}, {transform_indices = @transform_3, window_bounds = array<i64: 1000, 128>}]} {
    %get3A = arith.constant 0 : index
    %get3A_0 = arith.constant 0 : index
    %get3A_1 = vector.load %arg1[%get3A, %get3A_0] : memref<1000x128xf32, #tpu.memory_space<vmem>>, vector<1000x128xf32>
    %get3A_2 = arith.constant 0 : index
    %get3A_3 = arith.constant 0 : index
    %get3A_4 = vector.load %arg2[%get3A_2, %get3A_3] : memref<128x128xf32, #tpu.memory_space<vmem>>, vector<128x128xf32>
    %dot_general3A = arith.constant dense<0.000000e+00> : vector<1000x128xf32>
    %dot_general3A_5 = tpu.matmul %get3A_1, %get3A_4, %dot_general3A {dimension_numbers = #tpu.dot_dimension_numbers<[1], [1], [0], [0], [0, 0, 1, 0], [], []>, transpose_lhs_hint = false} : vector<1000x128xf32>, vector<128x128xf32>, vector<1000x128xf32> -> vector<1000x128xf32>
    %get3A_6 = arith.constant 0 : index
    %get3A_7 = arith.constant 0 : index
    %get3A_8 = vector.load %arg3[%get3A_6, %get3A_7] : memref<1x128xf32, #tpu.memory_space<vmem>>, vector<1x128xf32>
    %add3A = vector.broadcast %get3A_8 : vector<1x128xf32> to vector<1000x128xf32>
    %add3A_9 = arith.addf %dot_general3A_5, %add3A : vector<1000x128xf32>
    %swap3A = arith.constant 0 : index
    %swap3A_10 = arith.constant 0 : index
    %swap3A_11 = vector.load %arg4[%swap3A, %swap3A_10] : memref<1000x128xf32, #tpu.memory_space<vmem>>, vector<1000x128xf32>
    tpu.vector_store %arg4[%swap3A, %swap3A_10], %add3A_9 {strides = array<i32>} : memref<1000x128xf32, #tpu.memory_space<vmem>>, vector<1000x128xf32>,
    return
  }
  func.func @transform_0(%arg0: i32) -> (i32, i32) {
    %c0_i32 = arith.constant 0 : i32
    %c0_i32_0 = arith.constant 0 : i32
    return %arg0, %c0_i32 : i32, i32
  }
  func.func @transform_1(%arg0: i32) -> (i32, i32) {
    %c0_i32 = arith.constant 0 : i32
    %c0_i32_0 = arith.constant 0 : i32
    %c0_i32_1 = arith.constant 0 : i32
    return %c0_i32, %c0_i32_0 : i32, i32
  }
  func.func @transform_2(%arg0: i32) -> (i32, i32) {
    %c0_i32 = arith.constant 0 : i32
    %c0_i32_0 = arith.constant 0 : i32
    %c0_i32_1 = arith.constant 0 : i32
    return %c0_i32, %c0_i32_0 : i32, i32
  }
  func.func @transform_3(%arg0: i32) -> (i32, i32) {
    %c0_i32 = arith.constant 0 : i32
    %c0_i32_0 = arith.constant 0 : i32
    return %arg0, %c0_i32 : i32, i32
  }
}

</mosaic_0001>

<sc_bundles>
// kernel: kernel.6.cloned.1.call-start
scs
__scs_entry_jumppad:
0x0: {  	(pc) =	sbr.rel $0x88, $3  }
0x1: {  	(tag) =	ssettag $0x0;
	lr =	simm.s32 $0x1  }
0x2: {  	[smem:$0x3F99] =	sst lr;
	_ =	strace $0xD0000000  }
0x3: {  	_ = 	snop  }
0x4: {  	_ = 	snop  }
0x5: {  	_ = 	snop  }
0x6: {  	_ = 	snop  }
0x7: {  	_ = 	snop  }
__scs_overlays_trampoline_lowered:
0x8: {  	[smem:$0x3FA8] =	sst s0  }
0x9: {  	[smem:$0x3FA9] =	sst s1  }
0xa: {  	[smem:$0x3FAA] =	sst s2  }
0xb: {  	[smem:$0x3FAB] =	sst s3  }
0xc: {  	[smem:$0x3FAC] =	sst s4  }
0xd: {  	[smem:$0x3FAD] =	sst s5  }
0xe: {  	[smem:$0x3FAE] =	sst s6  }
0xf: {  	[smem:$0x3FAF] =	sst s7  }
0x10: {  	[smem:$0x3FB0] =	sst s8  }
0x11: {  	[smem:$0x3FB1] =	sst s9;
	s0 =	simm.s32 @!p0 $0x0  }
0x12: {  	s1 =	sld [smem:$0x3F97];
	s0 =	simm.s32 @p0 $0x1  }
0x13: {  	[smem:$0x3FB2] =	sst s0;
	s0 =	simm.s32 @!p1 $0x0  }
0x14: {  	s2 =	sld [smem:$0x3F96];
	s0 =	simm.s32 @p1 $0x1  }
0x15: {  	[smem:$0x3FB3] =	sst s0;
	s0 =	simm.s32 @!p2 $0x0  }
0x16: {  	s3 =	sld [smem:$0x3FDB];
	s0 =	simm.s32 @p2 $0x1  }
0x17: {  	s4 =	simm.s32 $0x1BF5;
	[smem:$0x3FB5] =	sst s0  }
0x18: {  	s0 =	sld [smem:$0x3F98];
	_ =	swait.ge [sflag:s4], $0x0  }
0x19: {  	s7 =	sld [smem:$0x3F99]  }
0x1a: {  	s8 =	sadd.s32 $0xFFFFE003, lr  }
0x1b: {  	s9 =	sadd.s32 $0xFFFFFEF7, lr;
	s5 =	simm.s32 $0xFFFFFFFF;
	p2 =	slt.u32 s8, $0xFFFFF086  }
0x1c: {  	p1 =	slt.u32 s9, $0xF7A;
	s5 =	simm.s32 @!p2 $0x0  }
0x1d: {  	s5 =	simm.s32 @p1 $0x1;
	p0 =	seq.s32 s7, s2  }
0x1e: {  	s7 =	smul.u32 @!p0 $0xF7A, s2;
	p2 =	seq.s32 @!p0 s5, $0x0  }
0x1f: {  	s9 =	smul.u32 $0xF7A, s1;
	s8 =	simm.s32 @!p0 $0x1BF5;
	p2 =	por !p2, p0  }
0x20: {  	[sflag:s8] =	ssyncset.s32 @!p0 $0xFFFFF086;
	s6 =	sadd.s32 @!p0 s3, s7;
	s7 =	simm.s32 @!p0 $0x108  }
0x21: {  	s3 =	sadd.s32 s3, s9;
	s6 =	sadd.s32 @!p0 $0x88, s6;
	s7 =	simm.s32 @p2 $0x1082  }
0x22: {  	[simem:s7], [sflag:s8] =	dma.local @!p0 [hbm:s6], $0xF7A  }
0x23: {  	s9 =	sor.u32 $0xD0000000, s2;
	s6 =	simm.s32 $0x108;
	_ =	swait.ge @!p0 [sflag:s8], $0x0  }
0x24: {  	s3 =	sadd.s32 $0x88, s3;
	s6 =	simm.s32 @!p1 $0x1082;
	[sflag:s4] =	ssyncset.s32 $0xFFFFF086  }
0x25: {  	[simem:s6], [sflag:s4] =	dma.local [hbm:s3], $0xF7A  }
0x26: {  	[smem:$0x3F99] =	sst s1;
	(tag) =	ssettag s2;
	_ =	strace s9  }
0x27: {  	s1 =	sld [smem:$0x3FA9]  }
0x28: {  	s2 =	sld [smem:$0x3FAA]  }
0x29: {  	s4 =	sld [smem:$0x3FAC]  }
0x2a: {  	p0 =	seq.s32 s5, $0x0;
	s5 =	sld [smem:$0x3FAD]  }
0x2b: {  	s6 =	sld [smem:$0x3FAE]  }
0x2c: {  	s7 =	sld [smem:$0x3FAF]  }
0x2d: {  	s3 =	simm.s32 $0x108;
	s8 =	sld [smem:$0x3FB0]  }
0x2e: {  	s3 =	simm.s32 @!p0 $0x1082;
	s9 =	sld [smem:$0x3FB1]  }
0x2f: {  	lr =	sadd.s32 s0, s3;
	s0 =	sld [smem:$0x3FA8]  }
0x30: {  	s3 =	sld [smem:$0x3FAB]  }
0x31: {  	[smem:$0x3FB4] =	sst s10  }
0x32: {  	s10 =	sld [smem:$0x3FB2];
	_ =	sdelay $0x3  }
0x33: {  	p0 =	seq.s32 s10, $0x1;
	s10 =	sld [smem:$0x3FB4];
	_ =	sdelay $0x3  }
0x34: {  	[smem:$0x3FB4] =	sst s10  }
0x35: {  	s10 =	sld [smem:$0x3FB3];
	_ =	sdelay $0x3  }
0x36: {  	p1 =	seq.s32 s10, $0x1;
	s10 =	sld [smem:$0x3FB4];
	_ =	sdelay $0x3  }
0x37: {  	[smem:$0x3FB4] =	sst s10  }
0x38: {  	s10 =	sld [smem:$0x3FB5]  }
0x39: {  	_ = 	snop;
	(pc) =	sbr.ind lr, $3  }
0x3a: {  	_ = 	snop  }
0x3b: {  	_ = 	snop  }
0x3c: {  	p2 =	seq.s32 s10, $0x1;
	s10 =	sld [smem:$0x3FB4]  }
0x3d: {  	_ =	shalt  }
0x3e: {  	_ =	shalt  }
0x3f: {  	_ =	shalt  }
0x40: {  	_ =	shalt  }
0x41: {  	_ =	shalt  }
0x42: {  	_ =	shalt  }
0x43: {  	_ =	shalt  }
0x44: {  	_ =	shalt  }
0x45: {  	_ =	shalt  }
0x46: {  	_ =	shalt  }
0x47: {  	_ =	shalt  }
0x48: {  	_ =	shalt  }
0x49: {  	_ =	shalt  }
0x4a: {  	_ =	shalt  }
0x4b: {  	_ =	shalt  }
0x4c: {  	_ =	shalt  }
0x4d: {  	_ =	shalt  }
0x4e: {  	_ =	shalt  }
0x4f: {  	_ =	shalt  }
0x50: {  	_ =	shalt  }
0x51: {  	_ =	shalt  }
0x52: {  	_ =	shalt  }
0x53: {  	_ =	shalt  }
0x54: {  	_ =	shalt  }
0x55: {  	_ =	shalt  }
0x56: {  	_ =	shalt  }
0x57: {  	_ =	shalt  }
0x58: {  	_ =	shalt  }
0x59: {  	_ =	shalt  }
0x5a: {  	_ =	shalt  }
0x5b: {  	_ =	shalt  }
0x5c: {  	_ =	shalt  }
0x5d: {  	_ =	shalt  }
0x5e: {  	_ =	shalt  }
0x5f: {  	_ =	shalt  }
0x60: {  	_ =	shalt  }
0x61: {  	_ =	shalt  }
0x62: {  	_ =	shalt  }
0x63: {  	_ =	shalt  }
0x64: {  	_ =	shalt  }
0x65: {  	_ =	shalt  }
0x66: {  	_ =	shalt  }
0x67: {  	_ =	shalt  }
0x68: {  	_ =	shalt  }
0x69: {  	_ =	shalt  }
0x6a: {  	_ =	shalt  }
0x6b: {  	_ =	shalt  }
0x6c: {  	_ =	shalt  }
0x6d: {  	_ =	shalt  }
0x6e: {  	_ =	shalt  }
0x6f: {  	_ =	shalt  }
0x70: {  	_ =	shalt  }
0x71: {  	_ =	shalt  }
0x72: {  	_ =	shalt  }
0x73: {  	_ =	shalt  }
0x74: {  	_ =	shalt  }
0x75: {  	_ =	shalt  }
0x76: {  	_ =	shalt  }
0x77: {  	_ =	shalt  }
0x78: {  	_ =	shalt  }
0x79: {  	_ =	shalt  }
0x7a: {  	_ =	shalt  }
0x7b: {  	_ =	shalt  }
0x7c: {  	_ =	shalt  }
0x7d: {  	_ =	shalt  }
0x7e: {  	_ =	shalt  }
0x7f: {  	_ =	shalt  }
0x80: {  	_ =	shalt  }
0x81: {  	_ =	shalt  }
0x82: {  	_ =	shalt  }
0x83: {  	_ =	shalt  }
0x84: {  	_ =	shalt  }
0x85: {  	_ =	shalt  }
0x86: {  	_ =	shalt  }
0x87: {  	_ =	shalt  }
.Lfunc_end0:
.L_simem_size_0:
called_computation_lowered:
.L_overlay_start_0:
0x88: {  	s2 =	sld [smem:$0x3FD9]  }
0x89: {  	s3 =	sld [smem:$0x3FFE];
	_ =	sdelay $0x1  }
0x8a: {  	s1 =	srdreg.scid  }
0x8b: {  	s0 =	sand.u32 $0x1, s1  }
0x8c: {  	s17 =	sshll.u32 s0, $0xA;
	s2 =	sadd.s32 s3, s2  }
0x8d: {  	s2 =	sadd.s32 s2, s17  }
0x8e: {  	[smem:$0x3FC0] =	sst s2  }
0x8f: {  	_ = 	snop  }
0x90: {  	s18 =	sld [smem:$0x3FC9];
	(tm) =	ssettm $0x1  }
0x91: {  	s19 =	sld [smem:$0x3FFB];
	_ =	sdelay $0x3  }
0x92: {  	_ =	strace s19  }
0x93: {  	s2 =	sld [smem:$0x3FFC];
	_ =	sdelay $0x3  }
0x94: {  	_ =	strace s2  }
0x95: {  	s2 =	sld [smem:$0x3FFD];
	_ =	sdelay $0x3  }
0x96: {  	_ =	strace s2  }
0x97: {  	_ =	strace $0x8FFFFFFF  }
0x98: {  	s20 =	sld [smem:$0x3FDB];
	_ =	sdelay $0x1  }
0x99: {  	s4 =	simm.s32 $_scs_section_size  }
0x9a: {  	s5 =	simm.s32 $_size__tile_overlayer_lowered;
	s6 =	simm.s32 $_tile_overlayer_lowered  }
0x9b: {  	s7 =	simm.s32 $0x1BFF;
	s21 =	sshll.u32 s6, $0x1;
	s4 =	sadd.s32 s4, s20  }
0x9c: {  	s22 =	simm.s32 $0x0;
	s5 =	sshll.u32 s5, $0x1;
	s6 =	sadd.s32 s21, s4  }
0x9d: {  	[timem:s22], [sflag:s7] =	dma.local [hbm:s6], s5  }
0x9e: {  	_ =	swait.ge [sflag:s7], s5  }
0x9f: {  	s5 =	ssub.s32 $0x0, s5;
	[sflag:s7] =	ssyncset.done $0x0  }
0xa0: {  	[sflag:s7] =	ssyncadd.s32 s5;
	_ =	sdelay $0x1  }
0xa1: {  	s23 =	simm.s32 $0x1B8B  }
0xa2: {  	_ =	swait.ge [sflag:s23], $0x1  }
0xa3: {  	[sflag:s23] =	ssyncset.done $0x0  }
0xa4: {  	[sflag:s23] =	ssyncadd.s32 $0xFFFFFFFF  }
0xa5: {  	s5 =	sld [smem:$0x0]  }
0xa6: {  	s6 =	sand.u32 $0xFFFFFFFE, s1  }
0xa7: {  	p0 =	sne.s32 s1, s6  }
0xa8: {  	s6 =	sshll.u32 @p0 s6, $0xE  }
0xa9: {  	s6 =	sadd.s32 @p0 $0x11B8D, s6;
	s7 =	sshll.u32 @p0 s5, $0x11  }
0xaa: {  	s6 =	sor.u32 @p0 s7, s6  }
0xab: {  	[sflag:s6] =	ssyncadd.remote.s32 @p0 $0x1;
	_ =	sdelay $0x1  }
0xac: {  	s6 =	simm.s32 @p0 $0x1B8D  }
0xad: {  	_ =	swait.eq @p0 [sflag:s6], $0x1  }
0xae: {  	[sflag:s6] =	ssyncadd.s32 @p0 $0xFFFFFFFF  }
0xaf: {  	s7 =	sshll.u32 @!p0 s1, $0xE  }
0xb0: {  	s7 =	sor.u32 @!p0 $0x4000, s7;
	s6 =	simm.s32 @!p0 $0x1B8D  }
0xb1: {  	s5 =	sshll.u32 @!p0 s5, $0x11;
	s7 =	sadd.s32 @!p0 $0x11B8D, s7;
	_ =	swait.eq @!p0 [sflag:s6], $0x1  }
0xb2: {  	s5 =	sor.u32 @!p0 s5, s7;
	[sflag:s6] =	ssyncadd.s32 @!p0 $0xFFFFFFFF  }
0xb3: {  	s25 =	simm.s32 $0x1B8E;
	s24 =	sld [smem:$0x3FFE];
	[sflag:s5] =	ssyncadd.remote.s32 @!p0 $0x1  }
0xb4: {  	s26 =	simm.s32 $execute0_lowered;
	[smem:$0x3FD2] =	sst s25  }
0xb5: {  	s6 =	sshll.u32 s26, $0x1;
	_ =	strace $0x80000049;
	[dreg:$0x1] =	wrdreg $0xFFFFFFFF  }
0xb6: {  	s28 =	simm.s32 $_size_execute0_lowered;
	s4 =	sadd.s32 s4, s6;
	[dreg:$0x0] =	wrdreg $0x0  }
0xb7: {  	s6 =	sshll.u32 s28, $0x1;
	[dreg:$0x2] =	wrdreg s4  }
0xb8: {  	[dreg:$0x3] =	wrdreg s6  }
0xb9: {  	[dreg:$0x4] =	wrdreg $0xC0  }
0xba: {  	_ =	task [dreg:s22], $0x5FFFF  }
0xbb: {  	[dreg:$0x1] =	wrdreg $0xFFFFFFFF  }
0xbc: {  	[dreg:$0x0] =	wrdreg $0x60  }
0xbd: {  	[dreg:$0x2] =	wrdreg s18  }
0xbe: {  	[dreg:$0x3] =	wrdreg s24  }
0xbf: {  	[dreg:$0x4] =	wrdreg $0xB9800  }
0xc0: {  	[dreg:$0x5] =	wrdreg $0x9  }
0xc1: {  	_ =	task.clear_ibuf [dreg:s22], $0x6FFFF;
	_ =	strace $0x90000049  }
0xc2: {  	s29 =	simm.s32 $0x9;
	_ =	strace $0x8000004B  }
0xc3: {  	_ =	swait.ge [sflag:s29], $0x1  }
0xc4: {  	[sflag:s29] =	ssyncadd.s32 $0xFFFFFFFF  }
0xc5: {  	_ =	strace $0x9000004B  }
0xc6: {  	_ =	sfence  }
0xc7: {  	s30 =	sld [smem:$0x0];
	_ =	sdelay $0x2  }
0xc8: {  	s31 =	sshll.u32 s1, $0xD;
	s1 =	sshrl.u32 s1, $0x2  }
0xc9: {  	s4 =	sand.u32 $0x4000, s31;
	s1 =	sadd.s32 s1, s30  }
0xca: {  	s0 =	sor.u32 s4, s0;
	s1 =	sshll.u32 s1, $0x11  }
0xcb: {  	s0 =	sor.u32 s1, s0  }
0xcc: {  	s0 =	sadd.s32 $0x8F2B, s0  }
0xcd: {  	[sflag:s0] =	ssyncadd.remote.s32 $0x1  }
0xce: {  	_ =	sfence.sel $0xFFFF  }
0xcf: {  	[dreg:$0x0] =	wrdreg $0xFFFFFFFF;
	(pc) =	sbr.abs _section_cstart, $3  }
0xd0: {  	[dreg:$0x1] =	wrdreg $0xFFFFFFFF  }
0xd1: {  	_ =	task.clear_ibuf [dreg:s22], $0x2FFFF;
	_ =	strace $0x9FFFFFFF  }
0xd2: {  	(tm) =	ssettm $0x7FFFFFFF  }
0xd3: {  	_ =	shalt  }
tec
execute0_lowered:
.L_overlay_start_1:
0x0: {  	(tag) =	ssettag $0x1  }
0x1: {  	s1 =	rddreg [dreg:$0x0]  }
0x2: {  	s0 =	rddreg [dreg:$0x1]  }
0x3: {  	s2 =	rddreg [dreg:$0x2]  }
0x4: {  	s4 =	simm.s32 $0x0;
	s3 =	srdreg.scid;
	s10 =	stileid.u32  }
0x5: {  	s29 =	simm.s32 $0x5000;
	s30 =	simm.s32 $0x8;
	s31 =	simm.s32 $0x2  }
0x6: {  	[smem:$0x7FF] =	sst s4;
	s3 =	sand.u32 $0x1, s3;
	s7 =	smul.u32 $0xA000, s10  }
0x7: {  	s5 =	sadd.s32 $0x1C00, s0;
	s0 =	sadd.s32 $0x15600, s0;
	s12 =	smul.u32 $0x2800, s10  }
0x8: {  	s26 =	smin.u32 s10, $0xC;
	p0 =	sgt.u32 s10, $0xC;
	_ =	strace $0x8000004A  }
0x9: {  	s6 =	ssub.s32 $0x2, s3;
	s9 =	sshll.u32 s3, $0x4;
	s16 =	smul.u32 $0x138800, s3  }
0xa: {  	s3 =	smul.u32 $0x27100, s3;
	s8 =	sshrl.u32 s6, $0x1;
	s9 =	sor.u32 s10, s9  }
0xb: {  	s7 =	sshrl.u32 s7, $0x2;
	s20 =	sadd.s32 $0x28000, s12;
	s21 =	sadd.s32 $0x50000, s12  }
0xc: {  	s13 =	sadd.s32 $0x78000, s12;
	s24 =	sadd.s32 $0xA0000, s12;
	s15 =	sadd.s32 $0xC8000, s12  }
0xd: {  	s18 =	sadd.s32 $0xF0000, s12;
	s6 =	ssub.s32 s6, s8;
	s8 =	smul.u32 $0x2710, s9  }
0xe: {  	s11 =	sadd.s32 s7, s2;
	s14 =	sadd.s32 s20, s2;
	s22 =	sadd.s32 s21, s2  }
0xf: {  	s23 =	sadd.s32 s13, s2;
	s17 =	sadd.s32 s24, s2;
	[dreg:$0x4] =	wrdreg s14  }
0x10: {  	s25 =	sadd.s32 s15, s2;
	s12 =	sadd.s32 s12, s16;
	[dreg:$0x5] =	wrdreg s22  }
0x11: {  	s7 =	sadd.s32 s16, s20;
	s9 =	sadd.s32 s16, s21;
	[dreg:$0x6] =	wrdreg s23  }
0x12: {  	s20 =	sadd.s32 s16, s24;
	s21 =	sadd.s32 s16, s15;
	[dreg:$0x7] =	wrdreg s17  }
0x13: {  	[dreg:$0x8] =	wrdreg s25;
	s17 =	sor.u32 $0x70, s26;
	s12 =	sshrl.u32 s12, $0x3  }
0x14: {  	s7 =	sshrl.u32 s7, $0x3;
	s9 =	sshrl.u32 s9, $0x3;
	s24 =	sshrl.u32 s21, $0x3  }
0x15: {  	s26 =	sadd.s32 s16, s18;
	s19 =	smul.u32 $0xA000, s17;
	s12 =	sadd.s32 s0, s12  }
0x16: {  	s7 =	sadd.s32 s0, s7;
	s22 =	smul.u32 $0x2800, s17;
	[dreg:$0x9] =	wrdreg s12  }
0x17: {  	s8 =	sshrl.u32 s8, $0x3;
	[dreg:$0xa] =	wrdreg s7;
	s12 =	sadd.s32 s16, s13  }
0x18: {  	s7 =	sadd.s32 s0, s9;
	s9 =	sshrl.u32 s20, $0x3;
	s15 =	sadd.s32 s5, s8  }
0x19: {  	[dreg:$0xb] =	wrdreg s7;
	s13 =	sshrl.u32 s12, $0x3;
	s23 =	sadd.s32 s0, s9  }
0x1a: {  	s25 =	sadd.s32 s16, s22;
	s9 =	sshrl.u32 s26, $0x3;
	[dreg:$0x12] =	wrdreg s15  }
0x1b: {  	s12 =	smul.u32 $0x2710, s10;
	s16 =	smax.u32 s6, $0x1;
	[dreg:$0xd] =	wrdreg s23  }
0x1c: {  	s14 =	sshrl.u32 s19, $0x2;
	s22 =	sadd.s32 $0xA, s15;
	[dreg:$0x13] =	wrdreg s16  }
0x1d: {  	s26 =	sadd.s32 $0x4D8, s15;
	s7 =	sadd.s32 s0, s13;
	[dreg:$0x14] =	wrdreg s22  }
0x1e: {  	s9 =	sadd.s32 s0, s9;
	s13 =	sadd.s32 s18, s2;
	[dreg:$0x17] =	wrdreg s26  }
0x1f: {  	s21 =	sadd.s32 s14, s2;
	s23 =	sadd.s32 $0x14, s15;
	[dreg:$0xc] =	wrdreg s7  }
0x20: {  	s14 =	simm.s32 $0x4;
	s16 =	simm.s32 $0x7880;
	[dreg:$0xf] =	wrdreg s9  }
0x21: {  	s22 =	simm.s32 $0x0;
	s7 =	sadd.s32 s0, s24;
	[dreg:$0x11] =	wrdreg s13  }
0x22: {  	[dreg:$0x15] =	wrdreg s23;
	s13 =	simm.s32 $0x7800;
	s23 =	simm.s32 $0x6  }
0x23: {  	[dreg:$0xe] =	wrdreg s7;
	s7 =	sshrl.u32 s25, $0x3;
	s25 =	sadd.s32 $0x4CE, s15  }
0x24: {  	s15 =	simm.s32 $0x50;
	s0 =	sadd.s32 s0, s7;
	[dreg:$0x16] =	wrdreg s25  }
0x25: {  	[dreg:$0x10] =	wrdreg s0;
	s0 =	sadd.s32 s12, s3;
	s12 =	simm.s32 $0x7  }
0x26: {  	s17 =	sadd.s32 $0x4E200, s0;
	s18 =	sadd.s32 $0x190, s0;
	s19 =	sadd.s32 $0x140, s0  }
0x27: {  	s28 =	sadd.s32 $0xF0, s0;
	s0 =	simm.s32 $0x3;
	s3 =	sshrl.u32 s17, $0x3  }
0x28: {  	s6 =	sshrl.u32 s18, $0x3;
	s20 =	sshrl.u32 s19, $0x3;
	s17 =	simm.s32 $0x5  }
0x29: {  	s18 =	simm.s32 $0x2800;
	s19 =	simm.s32 $0x7900;
	s24 =	sadd.s32 s3, s5  }
0x2a: {  	v0 =	vimm.f32 $0.0e+00;
	s8 =	sadd.s32 s6, s5;
	s9 =	sadd.s32 s20, s5;
	s3 =	simm.s32 $0x1  }
.LBB2_1:
0x2b: {  	s6 =	simm.s32 $0x7980;
	s7 =	sadd.s32 $0x0, s24  }
0x2c: {  	[tilespmem:s6], [sflag:$0x7] =	stream.linear.gather [hbm4b:s7+s4], $0x50, $0x38;
	[tilespmem:$0x1F200] =	vst v63  }
0x2d: {  	s7 =	simm.s32 $0xA  }
.LBB2_2:
0x2e: {  	p1 =	sne.s32 s7, $0x4D8  }
.Ltmp0:
0x2f: {  	_ = 	snop;
	(pc) =	sbr.rel @p1 .LBB2_2-.Ltmp0, $4  }
0x30: {  	_ = 	snop  }
0x31: {  	s25 =	sadd.s32 s7, s24;
	s6 =	sadd.s32 $0x80, s6  }
0x32: {  	s26 =	simm.s32 $0x0;
	s7 =	sadd.s32 $0xA, s7  }
0x33: {  	[tilespmem:s6], [sflag:$0x7] =	stream.linear.gather [hbm4b:s25+s26], $0x50, $0x38;
	[tilespmem:$0x1F200] =	vst v63  }
0x34: {  	s6 =	simm.s32 $0x0;
	s7 =	simm.s32 $0x200  }
.LBB2_4:
0x35: {  	p1 =	sne.s32 s7, $0x9E00;
	[tilespmem:s6+$0x70] =	vst v0  }
0x36: {  	[tilespmem:s6+$0x0] =	vst v0  }
0x37: {  	[tilespmem:s6+$0x10] =	vst v0  }
.Ltmp1:
0x38: {  	[tilespmem:s6+$0x20] =	vst v0;
	(pc) =	sbr.rel @p1 .LBB2_4-.Ltmp1, $4  }
0x39: {  	[tilespmem:s6+$0x30] =	vst v0  }
0x3a: {  	[tilespmem:s6+$0x40] =	vst v0  }
0x3b: {  	[tilespmem:s6+$0x50] =	vst v0  }
0x3c: {  	[tilespmem:s6+$0x60] =	vst v0;
	s6 =	sshra.s32 s7, $0x2;
	s7 =	sadd.s32 $0x200, s7  }
0x3d: {  	[tilespmem:s6+$0x70] =	vst v0  }
0x3e: {  	[tilespmem:s6+$0x0] =	vst v0  }
0x3f: {  	[tilespmem:s6+$0x10] =	vst v0  }
0x40: {  	[tilespmem:s6+$0x20] =	vst v0  }
0x41: {  	[tilespmem:s6+$0x30] =	vst v0  }
0x42: {  	[tilespmem:s6+$0x40] =	vst v0  }
0x43: {  	[tilespmem:s6+$0x50] =	vst v0  }
0x44: {  	[tilespmem:s6+$0x60] =	vst v0  }
0x45: {  	[spmem:s11] =	stream.linear.scatter [tilespmem:s4], [sflag:$0x1], $0x2800, $0x38;
	[tilespmem:$0x1F200] =	vst v63  }
0x46: {  	s26 =	rddreg [dreg:$0x4]  }
0x47: {  	[spmem:s26] =	stream.linear.scatter [tilespmem:s4], [sflag:$0x1], $0x2800, $0x38;
	[tilespmem:$0x1F200] =	vst v63  }
0x48: {  	s7 =	rddreg [dreg:$0x5]  }
0x49: {  	[spmem:s7] =	stream.linear.scatter [tilespmem:s4], [sflag:$0x1], $0x2800, $0x38;
	[tilespmem:$0x1F200] =	vst v63  }
0x4a: {  	s10 =	rddreg [dreg:$0x6]  }
0x4b: {  	[spmem:s10] =	stream.linear.scatter [tilespmem:s4], [sflag:$0x1], $0x2800, $0x38;
	[tilespmem:$0x1F200] =	vst v63  }
0x4c: {  	s20 =	smov.u32 s11;
	s11 =	rddreg [dreg:$0x7]  }
0x4d: {  	[spmem:s11] =	stream.linear.scatter [tilespmem:s4], [sflag:$0x1], $0x2800, $0x38;
	[tilespmem:$0x1F200] =	vst v63  }
0x4e: {  	s25 =	rddreg [dreg:$0x8]  }
0x4f: {  	[spmem:s25] =	stream.linear.scatter [tilespmem:s4], [sflag:$0x1], $0x2800, $0x38;
	[tilespmem:$0x1F200] =	vst v63  }
0x50: {  	s26 =	rddreg [dreg:$0x11]  }
0x51: {  	[spmem:s26] =	stream.linear.scatter [tilespmem:s4], [sflag:$0x1], $0x2800, $0x38;
	[tilespmem:$0x1F200] =	vst v63  }
0x52: {  	s6 =	simm.s32 @!p0 $0x0  }
0x53: {  	[spmem:s21] =	stream.linear.scatter @!p0 [tilespmem:s6], [sflag:$0x1], $0x2800, $0x38;
	[tilespmem:$0x1F200] =	vst v63  }
0x54: {  	s6 =	simm.s32 @!p0 $0x1  }
0x55: {  	_ =	swait.ge @!p0 [sflag:s6], $0x2800  }
0x56: {  	[sflag:s6] =	ssyncset.done @!p0 $0x0  }
0x57: {  	[sflag:s6] =	ssyncadd.s32 @!p0 $0xFFFFD800  }
0x58: {  	_ =	swait.ge [sflag:s3], $0x2800  }
0x59: {  	[sflag:s3] =	ssyncset.done $0x0  }
0x5a: {  	[sflag:s3] =	ssyncadd.s32 $0xFFFFD800  }
0x5b: {  	_ =	swait.ge [sflag:s3], $0x2800  }
0x5c: {  	[sflag:s3] =	ssyncset.done $0x0  }
0x5d: {  	[sflag:s3] =	ssyncadd.s32 $0xFFFFD800  }
0x5e: {  	_ =	swait.ge [sflag:s3], $0x2800  }
0x5f: {  	[sflag:s3] =	ssyncset.done $0x0  }
0x60: {  	[sflag:s3] =	ssyncadd.s32 $0xFFFFD800  }
0x61: {  	_ =	swait.ge [sflag:s3], $0x2800  }
0x62: {  	[sflag:s3] =	ssyncset.done $0x0  }
0x63: {  	[sflag:s3] =	ssyncadd.s32 $0xFFFFD800  }
0x64: {  	_ =	swait.ge [sflag:s3], $0x2800  }
0x65: {  	[sflag:s3] =	ssyncset.done $0x0  }
0x66: {  	[sflag:s3] =	ssyncadd.s32 $0xFFFFD800  }
0x67: {  	_ =	swait.ge [sflag:s3], $0x2800  }
0x68: {  	[sflag:s3] =	ssyncset.done $0x0  }
0x69: {  	[sflag:s3] =	ssyncadd.s32 $0xFFFFD800  }
0x6a: {  	_ =	swait.ge [sflag:s3], $0x2800  }
0x6b: {  	[sflag:s3] =	ssyncset.done $0x0  }
0x6c: {  	[sflag:s3] =	ssyncadd.s32 $0xFFFFD800  }
0x6d: {  	_ =	swait.ge [sflag:s12], $0x50  }
0x6e: {  	s6 =	simm.s32 $0x7C;
	[sflag:s12] =	ssyncset.done $0x0  }
.LBB2_6:
0x6f: {  	p1 =	sne.s32 s6, $0x1;
	s6 =	sadd.s32 $0xFFFFFFFF, s6;
	[sflag:s12] =	ssyncadd.s32 $0xFFFFFFB0  }
.Ltmp2:
0x70: {  	(pc) =	sbr.rel @p1 .LBB2_6-.Ltmp2, $3  }
0x71: {  	_ =	sdelay $0x1  }
0x72: {  	_ =	swait.ge [sflag:s12], $0x50  }
0x73: {  	[sflag:s12] =	ssyncset.done $0x0  }
0x74: {  	[sflag:s12] =	ssyncadd.s32 $0xFFFFFFB0  }
0x75: {  	[bflag:$0x0] =	sbarrier.arrive $0xFFFF  }
0x76: {  	s6 =	simm.s32 $0x0;
	s7 =	rddreg [dreg:$0x12]  }
0x77: {  	[tilespmem:s13], [sflag:$0x4] =	stream.linear.gather [hbm4b:s7+s6], $0x50, $0x38;
	[tilespmem:$0x1F200] =	vst v63  }
0x78: {  	_ =	swait.ge [sflag:s14], $0x50  }
0x79: {  	[sflag:s14] =	ssyncset.done $0x0  }
0x7a: {  	[sflag:s14] =	ssyncadd.s32 $0xFFFFFFB0  }
0x7b: {  	[tilespmem:s6], [sflag:$0x1] =	stream.indirect.gather [hbm4b:s1+s15], $0x80, s13, s15, $0xb8;
	[tilespmem:$0x1F200] =	vst v63  }
0x7c: {  	s25 =	rddreg [dreg:$0x14]  }
0x7d: {  	[tilespmem:s16], [sflag:$0x5] =	stream.linear.gather [hbm4b:s25+s6], $0x50, $0x38;
	[tilespmem:$0x1F200] =	vst v63  }
0x7e: {  	_ =	swait.ge [sflag:s17], $0x50  }
0x7f: {  	[sflag:s17] =	ssyncset.done $0x0  }
0x80: {  	[sflag:s17] =	ssyncadd.s32 $0xFFFFFFB0  }
0x81: {  	[tilespmem:s18], [sflag:$0x2] =	stream.indirect.gather [hbm4b:s1+s15], $0x80, s16, s15, $0xb8;
	[tilespmem:$0x1F200] =	vst v63  }
0x82: {  	s26 =	rddreg [dreg:$0x15]  }
0x83: {  	[tilespmem:s19], [sflag:$0x6] =	stream.linear.gather [hbm4b:s26+s6], $0x50, $0x38;
	[tilespmem:$0x1F200] =	vst v63  }
0x84: {  	_ =	swait.ge [sflag:s3], $0x2800  }
0x85: {  	s10 =	sshrl.u32 s28, $0x3;
	[sflag:s3] =	ssyncset.done $0x0  }
0x86: {  	s6 =	sadd.s32 s5, s10;
	[sflag:s3] =	ssyncadd.s32 $0xFFFFD800  }
0x87: {  	[tilespmem:s13], [sflag:$0x4] =	stream.linear.gather [hbm4b:s6+s4], $0x50, $0x38;
	[tilespmem:$0x1F200] =	vst v63  }
0x88: {  	_ =	swait.ge [sflag:s23], $0x50  }
0x89: {  	[sflag:s23] =	ssyncset.done $0x0  }
0x8a: {  	[sflag:s23] =	ssyncadd.s32 $0xFFFFFFB0  }
0x8b: {  	[tilespmem:s29], [sflag:$0x3] =	stream.indirect.gather [hbm4b:s1+s15], $0x80, s19, s15, $0xb8;
	[tilespmem:$0x1F200] =	vst v63  }
0x8c: {  	s11 =	simm.s32 $0x7980  }
0x8d: {  	[spmem:s2] =	stream.indirect.scatter.add.f32 [tilespmem:s4], [sflag:$0x8], $0x80, s11, s15, $0xb8;
	[tilespmem:$0x1F200] =	vst v63  }
0x8e: {  	_ =	swait.ge [sflag:s30], $0x2800  }
0x8f: {  	[sflag:s30] =	ssyncset.done $0x0  }
0x90: {  	[sflag:s30] =	ssyncadd.s32 $0xFFFFD800  }
0x91: {  	_ =	swait.ge [sflag:s31], $0x2800  }
0x92: {  	[sflag:s31] =	ssyncset.done $0x0  }
0x93: {  	[sflag:s31] =	ssyncadd.s32 $0xFFFFD800  }
0x94: {  	[tilespmem:s16], [sflag:$0x5] =	stream.linear.gather [hbm4b:s9+s4], $0x50, $0x38;
	[tilespmem:$0x1F200] =	vst v63  }
0x95: {  	_ =	swait.ge [sflag:s14], $0x50  }
0x96: {  	[sflag:s14] =	ssyncset.done $0x0  }
0x97: {  	[sflag:s14] =	ssyncadd.s32 $0xFFFFFFB0  }
0x98: {  	[tilespmem:s4], [sflag:$0x1] =	stream.indirect.gather [hbm4b:s1+s15], $0x80, s13, s15, $0xb8;
	[tilespmem:$0x1F200] =	vst v63  }
0x99: {  	s25 =	simm.s32 $0x7A00  }
0x9a: {  	[spmem:s2] =	stream.indirect.scatter.add.f32 [tilespmem:s18], [sflag:$0x8], $0x80, s25, s15, $0xb8;
	[tilespmem:$0x1F200] =	vst v63  }
0x9b: {  	_ =	swait.ge [sflag:s30], $0x2800  }
0x9c: {  	[sflag:s30] =	ssyncset.done $0x0  }
0x9d: {  	[sflag:s30] =	ssyncadd.s32 $0xFFFFD800  }
0x9e: {  	_ =	swait.ge [sflag:s0], $0x2800  }
0x9f: {  	[sflag:s0] =	ssyncset.done $0x0  }
0xa0: {  	[sflag:s0] =	ssyncadd.s32 $0xFFFFD800  }
0xa1: {  	[tilespmem:s19], [sflag:$0x6] =	stream.linear.gather [hbm4b:s8+s4], $0x50, $0x38;
	[tilespmem:$0x1F200] =	vst v63  }
0xa2: {  	_ =	swait.ge [sflag:s17], $0x50  }
0xa3: {  	[sflag:s17] =	ssyncset.done $0x0  }
0xa4: {  	[sflag:s17] =	ssyncadd.s32 $0xFFFFFFB0  }
0xa5: {  	[tilespmem:s18], [sflag:$0x2] =	stream.indirect.gather [hbm4b:s1+s15], $0x80, s16, s15, $0xb8;
	[tilespmem:$0x1F200] =	vst v63  }
0xa6: {  	s26 =	simm.s32 $0x7A80  }
0xa7: {  	[spmem:s2] =	stream.indirect.scatter.add.f32 [tilespmem:s29], [sflag:$0x8], $0x80, s26, s15, $0xb8;
	[tilespmem:$0x1F200] =	vst v63  }
0xa8: {  	s7 =	sadd.s32 $0xF0, s28;
	s6 =	simm.s32 $0x600;
	_ =	swait.ge [sflag:s30], $0x2800  }
0xa9: {  	s25 =	smov.u32 s8;
	s26 =	smov.u32 s9;
	[sflag:s30] =	ssyncset.done $0x0  }
.LBB2_8:
0xaa: {  	[sflag:s30] =	ssyncadd.s32 $0xFFFFD800;
	s25 =	sadd.s32 $0x1E, s25;
	s26 =	sadd.s32 $0x1E, s26  }
0xab: {  	p1 =	sne.s32 s6, $0xEA00;
	s10 =	smov.u32 s6;
	s6 =	sadd.s32 $0x600, s6  }
0xac: {  	_ =	swait.ge [sflag:s3], $0x2800  }
0xad: {  	s11 =	sshrl.u32 s7, $0x3;
	[sflag:s3] =	ssyncset.done $0x0  }
0xae: {  	s11 =	sadd.s32 s5, s11;
	[sflag:s3] =	ssyncadd.s32 $0xFFFFD800  }
0xaf: {  	[tilespmem:s13], [sflag:$0x4] =	stream.linear.gather [hbm4b:s11+s4], $0x50, $0x38;
	[tilespmem:$0x1F200] =	vst v63  }
0xb0: {  	_ =	swait.ge [sflag:s23], $0x50  }
0xb1: {  	[sflag:s23] =	ssyncset.done $0x0  }
0xb2: {  	s10 =	sshra.s32 s10, $0x2;
	[sflag:s23] =	ssyncadd.s32 $0xFFFFFFB0  }
0xb3: {  	[tilespmem:s29], [sflag:$0x3] =	stream.indirect.gather [hbm4b:s1+s15], $0x80, s19, s15, $0xb8;
	[tilespmem:$0x1F200] =	vst v63  }
0xb4: {  	s11 =	sadd.s32 $0x7980, s10  }
0xb5: {  	[spmem:s2] =	stream.indirect.scatter.add.f32 [tilespmem:s4], [sflag:$0x8], $0x80, s11, s15, $0xb8;
	[tilespmem:$0x1F200] =	vst v63  }
0xb6: {  	_ =	swait.ge [sflag:s30], $0x2800  }
0xb7: {  	[sflag:s30] =	ssyncset.done $0x0  }
0xb8: {  	[sflag:s30] =	ssyncadd.s32 $0xFFFFD800  }
0xb9: {  	_ =	swait.ge [sflag:s31], $0x2800  }
0xba: {  	[sflag:s31] =	ssyncset.done $0x0  }
0xbb: {  	[sflag:s31] =	ssyncadd.s32 $0xFFFFD800  }
0xbc: {  	[tilespmem:s16], [sflag:$0x5] =	stream.linear.gather [hbm4b:s26+s4], $0x50, $0x38;
	[tilespmem:$0x1F200] =	vst v63  }
0xbd: {  	_ =	swait.ge [sflag:s14], $0x50  }
0xbe: {  	[sflag:s14] =	ssyncset.done $0x0  }
0xbf: {  	[sflag:s14] =	ssyncadd.s32 $0xFFFFFFB0  }
0xc0: {  	[tilespmem:s4], [sflag:$0x1] =	stream.indirect.gather [hbm4b:s1+s15], $0x80, s13, s15, $0xb8;
	[tilespmem:$0x1F200] =	vst v63  }
0xc1: {  	s11 =	sadd.s32 $0x7A00, s10  }
0xc2: {  	[spmem:s2] =	stream.indirect.scatter.add.f32 [tilespmem:s18], [sflag:$0x8], $0x80, s11, s15, $0xb8;
	[tilespmem:$0x1F200] =	vst v63  }
0xc3: {  	_ =	swait.ge [sflag:s30], $0x2800  }
0xc4: {  	[sflag:s30] =	ssyncset.done $0x0  }
0xc5: {  	[sflag:s30] =	ssyncadd.s32 $0xFFFFD800  }
0xc6: {  	_ =	swait.ge [sflag:s0], $0x2800  }
0xc7: {  	[sflag:s0] =	ssyncset.done $0x0  }
0xc8: {  	[sflag:s0] =	ssyncadd.s32 $0xFFFFD800  }
0xc9: {  	[tilespmem:s19], [sflag:$0x6] =	stream.linear.gather [hbm4b:s25+s4], $0x50, $0x38;
	[tilespmem:$0x1F200] =	vst v63  }
0xca: {  	_ =	swait.ge [sflag:s17], $0x50  }
0xcb: {  	[sflag:s17] =	ssyncset.done $0x0  }
0xcc: {  	[sflag:s17] =	ssyncadd.s32 $0xFFFFFFB0  }
0xcd: {  	[tilespmem:s18], [sflag:$0x2] =	stream.indirect.gather [hbm4b:s1+s15], $0x80, s16, s15, $0xb8;
	[tilespmem:$0x1F200] =	vst v63  }
.Ltmp3:
0xce: {  	_ = 	snop;
	(pc) =	sbr.rel @p1 .LBB2_8-.Ltmp3, $4  }
0xcf: {  	s10 =	sadd.s32 $0x7A80, s10  }
0xd0: {  	[spmem:s2] =	stream.indirect.scatter.add.f32 [tilespmem:s29], [sflag:$0x8], $0x80, s10, s15, $0xb8;
	[tilespmem:$0x1F200] =	vst v63  }
0xd1: {  	_ =	swait.ge [sflag:s30], $0x2800  }
0xd2: {  	s7 =	sadd.s32 $0xF0, s7;
	[sflag:s30] =	ssyncset.done $0x0  }
0xd3: {  	[sflag:s30] =	ssyncadd.s32 $0xFFFFD800  }
0xd4: {  	_ =	swait.ge [sflag:s3], $0x2800  }
0xd5: {  	[sflag:s3] =	ssyncset.done $0x0  }
0xd6: {  	s6 =	rddreg [dreg:$0x16];
	[sflag:s3] =	ssyncadd.s32 $0xFFFFD800  }
0xd7: {  	[tilespmem:s13], [sflag:$0x4] =	stream.linear.gather [hbm4b:s6+s4], $0x50, $0x38;
	[tilespmem:$0x1F200] =	vst v63  }
0xd8: {  	_ =	swait.ge [sflag:s23], $0x50  }
0xd9: {  	[sflag:s23] =	ssyncset.done $0x0  }
0xda: {  	[sflag:s23] =	ssyncadd.s32 $0xFFFFFFB0  }
0xdb: {  	[tilespmem:s29], [sflag:$0x3] =	stream.indirect.gather [hbm4b:s1+s15], $0x80, s19, s15, $0xb8;
	[tilespmem:$0x1F200] =	vst v63  }
0xdc: {  	s11 =	simm.s32 $0xB580  }
0xdd: {  	[spmem:s2] =	stream.indirect.scatter.add.f32 [tilespmem:s4], [sflag:$0x8], $0x80, s11, s15, $0xb8;
	[tilespmem:$0x1F200] =	vst v63  }
0xde: {  	_ =	swait.ge [sflag:s30], $0x2800  }
0xdf: {  	[sflag:s30] =	ssyncset.done $0x0  }
0xe0: {  	[sflag:s30] =	ssyncadd.s32 $0xFFFFD800  }
0xe1: {  	_ =	swait.ge [sflag:s31], $0x2800  }
0xe2: {  	[sflag:s31] =	ssyncset.done $0x0  }
0xe3: {  	s25 =	rddreg [dreg:$0x17];
	[sflag:s31] =	ssyncadd.s32 $0xFFFFD800  }
0xe4: {  	[tilespmem:s16], [sflag:$0x5] =	stream.linear.gather [hbm4b:s25+s4], $0x50, $0x38;
	[tilespmem:$0x1F200] =	vst v63  }
0xe5: {  	_ =	swait.ge [sflag:s14], $0x50  }
0xe6: {  	[sflag:s14] =	ssyncset.done $0x0  }
0xe7: {  	[sflag:s14] =	ssyncadd.s32 $0xFFFFFFB0  }
0xe8: {  	[tilespmem:s4], [sflag:$0x1] =	stream.indirect.gather [hbm4b:s1+s15], $0x80, s13, s15, $0xb8;
	[tilespmem:$0x1F200] =	vst v63  }
0xe9: {  	s26 =	simm.s32 $0xB600  }
0xea: {  	[spmem:s2] =	stream.indirect.scatter.add.f32 [tilespmem:s18], [sflag:$0x8], $0x80, s26, s15, $0xb8;
	[tilespmem:$0x1F200] =	vst v63  }
0xeb: {  	_ =	swait.ge [sflag:s30], $0x2800  }
0xec: {  	[sflag:s30] =	ssyncset.done $0x0  }
0xed: {  	[sflag:s30] =	ssyncadd.s32 $0xFFFFD800  }
0xee: {  	_ =	swait.ge [sflag:s0], $0x2800  }
0xef: {  	[sflag:s0] =	ssyncset.done $0x0  }
0xf0: {  	[sflag:s0] =	ssyncadd.s32 $0xFFFFD800  }
0xf1: {  	_ =	swait.ge [sflag:s17], $0x50  }
0xf2: {  	[sflag:s17] =	ssyncset.done $0x0  }
0xf3: {  	[sflag:s17] =	ssyncadd.s32 $0xFFFFFFB0  }
0xf4: {  	[tilespmem:s18], [sflag:$0x2] =	stream.indirect.gather [hbm4b:s1+s15], $0x80, s16, s15, $0xb8;
	[tilespmem:$0x1F200] =	vst v63  }
0xf5: {  	s7 =	simm.s32 $0xB680  }
0xf6: {  	[spmem:s2] =	stream.indirect.scatter.add.f32 [tilespmem:s29], [sflag:$0x8], $0x80, s7, s15, $0xb8;
	[tilespmem:$0x1F200] =	vst v63  }
0xf7: {  	_ =	swait.ge [sflag:s30], $0x2800  }
0xf8: {  	[sflag:s30] =	ssyncset.done $0x0  }
0xf9: {  	[sflag:s30] =	ssyncadd.s32 $0xFFFFD800  }
0xfa: {  	_ =	swait.ge [sflag:s3], $0x2800  }
0xfb: {  	[sflag:s3] =	ssyncset.done $0x0  }
0xfc: {  	s10 =	simm.s32 $0xB700;
	[sflag:s3] =	ssyncadd.s32 $0xFFFFD800  }
0xfd: {  	[spmem:s2] =	stream.indirect.scatter.add.f32 [tilespmem:s4], [sflag:$0x8], $0x80, s10, s15, $0xb8;
	[tilespmem:$0x1F200] =	vst v63  }
0xfe: {  	_ =	swait.ge [sflag:s30], $0x2800  }
0xff: {  	[sflag:s30] =	ssyncset.done $0x0  }
0x100: {  	[sflag:s30] =	ssyncadd.s32 $0xFFFFD800  }
0x101: {  	_ =	swait.ge [sflag:s31], $0x2800  }
0x102: {  	[sflag:s31] =	ssyncset.done $0x0  }
0x103: {  	s11 =	simm.s32 $0xB780;
	[sflag:s31] =	ssyncadd.s32 $0xFFFFD800  }
0x104: {  	[spmem:s2] =	stream.indirect.scatter.add.f32 [tilespmem:s18], [sflag:$0x8], $0x80, s11, s15, $0xb8;
	[tilespmem:$0x1F200] =	vst v63  }
0x105: {  	_ =	swait.ge [sflag:s30], $0x2800  }
0x106: {  	[sflag:s30] =	ssyncset.done $0x0  }
0x107: {  	s25 =	stileid.u32;
	[sflag:s30] =	ssyncadd.s32 $0xFFFFD800  }
0x108: {  	s6 =	sshll.u32 s25, $0x6;
	[bflag:$0x0] =	sbarrier.arrive $0xFFFF  }
0x109: {  	s6 =	sor.u32 $0x1C07, s6;
	s7 =	sshrl.u32 s20, $0x3;
	s10 =	rddreg [dreg:$0x9]  }
0x10a: {  	[hbm:s10], [sflag:s6] =	dma.local [spmem:s7], $0x500  }
0x10b: {  	s7 =	rddreg [dreg:$0x4]  }
0x10c: {  	s10 =	rddreg [dreg:$0xa];
	s7 =	sshrl.u32 s7, $0x3  }
0x10d: {  	[hbm:s10], [sflag:s6] =	dma.local [spmem:s7], $0x500  }
0x10e: {  	s7 =	rddreg [dreg:$0x5]  }
0x10f: {  	s10 =	rddreg [dreg:$0xb];
	s7 =	sshrl.u32 s7, $0x3  }
0x110: {  	[hbm:s10], [sflag:s6] =	dma.local [spmem:s7], $0x500  }
0x111: {  	s7 =	rddreg [dreg:$0x6]  }
0x112: {  	s10 =	rddreg [dreg:$0xc];
	s7 =	sshrl.u32 s7, $0x3  }
0x113: {  	[hbm:s10], [sflag:s6] =	dma.local [spmem:s7], $0x500  }
0x114: {  	s7 =	rddreg [dreg:$0x7]  }
0x115: {  	s10 =	rddreg [dreg:$0xd];
	s7 =	sshrl.u32 s7, $0x3  }
0x116: {  	[hbm:s10], [sflag:s6] =	dma.local [spmem:s7], $0x500  }
0x117: {  	s7 =	rddreg [dreg:$0x8]  }
0x118: {  	s10 =	rddreg [dreg:$0xe];
	s7 =	sshrl.u32 s7, $0x3  }
0x119: {  	[hbm:s10], [sflag:s6] =	dma.local [spmem:s7], $0x500  }
0x11a: {  	s7 =	rddreg [dreg:$0x11]  }
0x11b: {  	s10 =	rddreg [dreg:$0xf];
	s7 =	sshrl.u32 s7, $0x3  }
0x11c: {  	[hbm:s10], [sflag:s6] =	dma.local [spmem:s7], $0x500  }
0x11d: {  	s7 =	sshrl.u32 @!p0 s21, $0x3;
	s10 =	rddreg [dreg:$0x10]  }
0x11e: {  	[hbm:s10], [sflag:s6] =	dma.local @!p0 [spmem:s7], $0x500  }
0x11f: {  	s6 =	simm.s32 @!p0 $0x7  }
0x120: {  	_ =	swait.ge @!p0 [sflag:s6], $0x500  }
0x121: {  	[sflag:s6] =	ssyncset.done @!p0 $0x0  }
0x122: {  	[sflag:s6] =	ssyncadd.s32 @!p0 $0xFFFFFB00  }
0x123: {  	_ =	swait.ge [sflag:s12], $0x500  }
0x124: {  	[sflag:s12] =	ssyncset.done $0x0  }
0x125: {  	[sflag:s12] =	ssyncadd.s32 $0xFFFFFB00  }
0x126: {  	_ =	swait.ge [sflag:s12], $0x500  }
0x127: {  	[sflag:s12] =	ssyncset.done $0x0  }
0x128: {  	[sflag:s12] =	ssyncadd.s32 $0xFFFFFB00  }
0x129: {  	_ =	swait.ge [sflag:s12], $0x500  }
0x12a: {  	[sflag:s12] =	ssyncset.done $0x0  }
0x12b: {  	[sflag:s12] =	ssyncadd.s32 $0xFFFFFB00  }
0x12c: {  	_ =	swait.ge [sflag:s12], $0x500  }
0x12d: {  	[sflag:s12] =	ssyncset.done $0x0  }
0x12e: {  	[sflag:s12] =	ssyncadd.s32 $0xFFFFFB00  }
0x12f: {  	_ =	swait.ge [sflag:s12], $0x500  }
0x130: {  	[sflag:s12] =	ssyncset.done $0x0  }
0x131: {  	[sflag:s12] =	ssyncadd.s32 $0xFFFFFB00  }
0x132: {  	_ =	swait.ge [sflag:s12], $0x500  }
0x133: {  	[sflag:s12] =	ssyncset.done $0x0  }
0x134: {  	[sflag:s12] =	ssyncadd.s32 $0xFFFFFB00  }
0x135: {  	_ =	swait.ge [sflag:s12], $0x500  }
0x136: {  	s22 =	sadd.s32 $0x1, s22;
	s26 =	rddreg [dreg:$0x13]  }
0x137: {  	p1 =	sne.s32 s22, s26  }
.Ltmp4:
0x138: {  	_ = 	snop;
	(pc) =	sbr.rel @p1 .LBB2_1-.Ltmp4, $3  }
0x139: {  	_ =	sdelay $0x1  }
0x13a: {  	[sflag:s12] =	ssyncset.done $0x0  }
0x13b: {  	s11 =	smov.u32 s20;
	[sflag:s12] =	ssyncadd.s32 $0xFFFFFB00  }
0x13c: {  	_ =	sfence.sel $0x180000  }
0x13d: {  	[bflag:$0x0] =	sbarrier.arrive $0xFFFF  }
0x13e: {  	_ =	strace $0x9000004A  }
0x13f: {  	s0 =	stileid.u32;
	[bflag:$0x2] =	sbarrier.arrive $0xFFFF  }
0x140: {  	p0 =	sne.s32 s0, $0x0;
	s0 =	rddreg [dreg:$0x3]  }
0x141: {  	s0 =	sadd.s32 @!p0 $0x100000, s0  }
0x142: {  	[sflag:s0] =	ssyncadd.tile.s32 @!p0 $0x1;
	_ =	shalt  }
.Lfunc_end2:
_tile_overlayer_lowered:
.L_overlay_start_2:
0x143: {  	(tag) =	ssettag $0x2  }
0x144: {  	s0 =	rddreg [dreg:$0x0];
	s2 =	stileid.u32  }
0x145: {  	s1 =	rddreg [dreg:$0x1];
	p0 =	sne.s32 s2, $0x0  }
0x146: {  	s3 =	rddreg [dreg:$0x2];
	[bflag:$0x3] =	sbarrier.arrive $0xFFFF;
	s2 =	simm.s32 @!p0 $0x1C08  }
0x147: {  	[timem:s3], [sflag:s2] =	dma.local @!p0 [hbm:s0], s1  }
0x148: {  	s0 =	simm.s32 @!p0 $0x8  }
0x149: {  	_ =	swait.ge @!p0 [sflag:s0], s1  }
0x14a: {  	s1 =	ssub.s32 @!p0 $0x0, s1;
	[sflag:s0] =	ssyncset.done @!p0 $0x0  }
0x14b: {  	[sflag:s0] =	ssyncadd.s32 @!p0 s1  }
0x14c: {  	[bflag:$0x3] =	sbarrier.arrive $0xFFFF  }
0x14d: {  	_ =	shalt  }

// kernel: kernel.9.cloned.1.call-start
scs
__scs_entry_jumppad:
0x0: {  	(pc) =	sbr.rel $0x88, $3  }
0x1: {  	(tag) =	ssettag $0x0;
	lr =	simm.s32 $0x1  }
0x2: {  	[smem:$0x3F99] =	sst lr;
	_ =	strace $0xD0000000  }
0x3: {  	_ = 	snop  }
0x4: {  	_ = 	snop  }
0x5: {  	_ = 	snop  }
0x6: {  	_ = 	snop  }
0x7: {  	_ = 	snop  }
__scs_overlays_trampoline_lowered:
0x8: {  	[smem:$0x3FA8] =	sst s0  }
0x9: {  	[smem:$0x3FA9] =	sst s1  }
0xa: {  	[smem:$0x3FAA] =	sst s2  }
0xb: {  	[smem:$0x3FAB] =	sst s3  }
0xc: {  	[smem:$0x3FAC] =	sst s4  }
0xd: {  	[smem:$0x3FAD] =	sst s5  }
0xe: {  	[smem:$0x3FAE] =	sst s6  }
0xf: {  	[smem:$0x3FAF] =	sst s7  }
0x10: {  	[smem:$0x3FB0] =	sst s8  }
0x11: {  	[smem:$0x3FB1] =	sst s9;
	s0 =	simm.s32 @!p0 $0x0  }
0x12: {  	s1 =	sld [smem:$0x3F97];
	s0 =	simm.s32 @p0 $0x1  }
0x13: {  	[smem:$0x3FB2] =	sst s0;
	s0 =	simm.s32 @!p1 $0x0  }
0x14: {  	s2 =	sld [smem:$0x3F96];
	s0 =	simm.s32 @p1 $0x1  }
0x15: {  	[smem:$0x3FB3] =	sst s0;
	s0 =	simm.s32 @!p2 $0x0  }
0x16: {  	s3 =	sld [smem:$0x3FDB];
	s0 =	simm.s32 @p2 $0x1  }
0x17: {  	s4 =	simm.s32 $0x1BF5;
	[smem:$0x3FB5] =	sst s0  }
0x18: {  	s0 =	sld [smem:$0x3F98];
	_ =	swait.ge [sflag:s4], $0x0  }
0x19: {  	s7 =	sld [smem:$0x3F99]  }
0x1a: {  	s8 =	sadd.s32 $0xFFFFE003, lr  }
0x1b: {  	s9 =	sadd.s32 $0xFFFFFEF7, lr;
	s5 =	simm.s32 $0xFFFFFFFF;
	p2 =	slt.u32 s8, $0xFFFFF086  }
0x1c: {  	p1 =	slt.u32 s9, $0xF7A;
	s5 =	simm.s32 @!p2 $0x0  }
0x1d: {  	s5 =	simm.s32 @p1 $0x1;
	p0 =	seq.s32 s7, s2  }
0x1e: {  	s7 =	smul.u32 @!p0 $0xF7A, s2;
	p2 =	seq.s32 @!p0 s5, $0x0  }
0x1f: {  	s9 =	smul.u32 $0xF7A, s1;
	s8 =	simm.s32 @!p0 $0x1BF5;
	p2 =	por !p2, p0  }
0x20: {  	[sflag:s8] =	ssyncset.s32 @!p0 $0xFFFFF086;
	s6 =	sadd.s32 @!p0 s3, s7;
	s7 =	simm.s32 @!p0 $0x108  }
0x21: {  	s3 =	sadd.s32 s3, s9;
	s6 =	sadd.s32 @!p0 $0x88, s6;
	s7 =	simm.s32 @p2 $0x1082  }
0x22: {  	[simem:s7], [sflag:s8] =	dma.local @!p0 [hbm:s6], $0xF7A  }
0x23: {  	s9 =	sor.u32 $0xD0000000, s2;
	s6 =	simm.s32 $0x108;
	_ =	swait.ge @!p0 [sflag:s8], $0x0  }
0x24: {  	s3 =	sadd.s32 $0x88, s3;
	s6 =	simm.s32 @!p1 $0x1082;
	[sflag:s4] =	ssyncset.s32 $0xFFFFF086  }
0x25: {  	[simem:s6], [sflag:s4] =	dma.local [hbm:s3], $0xF7A  }
0x26: {  	[smem:$0x3F99] =	sst s1;
	(tag) =	ssettag s2;
	_ =	strace s9  }
0x27: {  	s1 =	sld [smem:$0x3FA9]  }
0x28: {  	s2 =	sld [smem:$0x3FAA]  }
0x29: {  	s4 =	sld [smem:$0x3FAC]  }
0x2a: {  	p0 =	seq.s32 s5, $0x0;
	s5 =	sld [smem:$0x3FAD]  }
0x2b: {  	s6 =	sld [smem:$0x3FAE]  }
0x2c: {  	s7 =	sld [smem:$0x3FAF]  }
0x2d: {  	s3 =	simm.s32 $0x108;
	s8 =	sld [smem:$0x3FB0]  }
0x2e: {  	s3 =	simm.s32 @!p0 $0x1082;
	s9 =	sld [smem:$0x3FB1]  }
0x2f: {  	lr =	sadd.s32 s0, s3;
	s0 =	sld [smem:$0x3FA8]  }
0x30: {  	s3 =	sld [smem:$0x3FAB]  }
0x31: {  	[smem:$0x3FB4] =	sst s10  }
0x32: {  	s10 =	sld [smem:$0x3FB2];
	_ =	sdelay $0x3  }
0x33: {  	p0 =	seq.s32 s10, $0x1;
	s10 =	sld [smem:$0x3FB4];
	_ =	sdelay $0x3  }
0x34: {  	[smem:$0x3FB4] =	sst s10  }
0x35: {  	s10 =	sld [smem:$0x3FB3];
	_ =	sdelay $0x3  }
0x36: {  	p1 =	seq.s32 s10, $0x1;
	s10 =	sld [smem:$0x3FB4];
	_ =	sdelay $0x3  }
0x37: {  	[smem:$0x3FB4] =	sst s10  }
0x38: {  	s10 =	sld [smem:$0x3FB5]  }
0x39: {  	_ = 	snop;
	(pc) =	sbr.ind lr, $3  }
0x3a: {  	_ = 	snop  }
0x3b: {  	_ = 	snop  }
0x3c: {  	p2 =	seq.s32 s10, $0x1;
	s10 =	sld [smem:$0x3FB4]  }
0x3d: {  	_ =	shalt  }
0x3e: {  	_ =	shalt  }
0x3f: {  	_ =	shalt  }
0x40: {  	_ =	shalt  }
0x41: {  	_ =	shalt  }
0x42: {  	_ =	shalt  }
0x43: {  	_ =	shalt  }
0x44: {  	_ =	shalt  }
0x45: {  	_ =	shalt  }
0x46: {  	_ =	shalt  }
0x47: {  	_ =	shalt  }
0x48: {  	_ =	shalt  }
0x49: {  	_ =	shalt  }
0x4a: {  	_ =	shalt  }
0x4b: {  	_ =	shalt  }
0x4c: {  	_ =	shalt  }
0x4d: {  	_ =	shalt  }
0x4e: {  	_ =	shalt  }
0x4f: {  	_ =	shalt  }
0x50: {  	_ =	shalt  }
0x51: {  	_ =	shalt  }
0x52: {  	_ =	shalt  }
0x53: {  	_ =	shalt  }
0x54: {  	_ =	shalt  }
0x55: {  	_ =	shalt  }
0x56: {  	_ =	shalt  }
0x57: {  	_ =	shalt  }
0x58: {  	_ =	shalt  }
0x59: {  	_ =	shalt  }
0x5a: {  	_ =	shalt  }
0x5b: {  	_ =	shalt  }
0x5c: {  	_ =	shalt  }
0x5d: {  	_ =	shalt  }
0x5e: {  	_ =	shalt  }
0x5f: {  	_ =	shalt  }
0x60: {  	_ =	shalt  }
0x61: {  	_ =	shalt  }
0x62: {  	_ =	shalt  }
0x63: {  	_ =	shalt  }
0x64: {  	_ =	shalt  }
0x65: {  	_ =	shalt  }
0x66: {  	_ =	shalt  }
0x67: {  	_ =	shalt  }
0x68: {  	_ =	shalt  }
0x69: {  	_ =	shalt  }
0x6a: {  	_ =	shalt  }
0x6b: {  	_ =	shalt  }
0x6c: {  	_ =	shalt  }
0x6d: {  	_ =	shalt  }
0x6e: {  	_ =	shalt  }
0x6f: {  	_ =	shalt  }
0x70: {  	_ =	shalt  }
0x71: {  	_ =	shalt  }
0x72: {  	_ =	shalt  }
0x73: {  	_ =	shalt  }
0x74: {  	_ =	shalt  }
0x75: {  	_ =	shalt  }
0x76: {  	_ =	shalt  }
0x77: {  	_ =	shalt  }
0x78: {  	_ =	shalt  }
0x79: {  	_ =	shalt  }
0x7a: {  	_ =	shalt  }
0x7b: {  	_ =	shalt  }
0x7c: {  	_ =	shalt  }
0x7d: {  	_ =	shalt  }
0x7e: {  	_ =	shalt  }
0x7f: {  	_ =	shalt  }
0x80: {  	_ =	shalt  }
0x81: {  	_ =	shalt  }
0x82: {  	_ =	shalt  }
0x83: {  	_ =	shalt  }
0x84: {  	_ =	shalt  }
0x85: {  	_ =	shalt  }
0x86: {  	_ =	shalt  }
0x87: {  	_ =	shalt  }
.Lfunc_end0:
.L_simem_size_0:
called_computation.1_lowered:
.L_overlay_start_0:
0x88: {  	s2 =	sld [smem:$0x3FD9]  }
0x89: {  	s3 =	sld [smem:$0x3FFE];
	_ =	sdelay $0x1  }
0x8a: {  	s1 =	srdreg.scid  }
0x8b: {  	s0 =	sand.u32 $0x1, s1  }
0x8c: {  	s17 =	sshll.u32 s0, $0xA;
	s2 =	sadd.s32 s3, s2  }
0x8d: {  	s2 =	sadd.s32 s2, s17  }
0x8e: {  	[smem:$0x3FC0] =	sst s2  }
0x8f: {  	_ = 	snop  }
0x90: {  	s2 =	sld [smem:$0x3FC7]  }
0x91: {  	s18 =	sld [smem:$0x3FD0];
	(tm) =	ssettm $0x1  }
0x92: {  	s4 =	sld [smem:$0x3FFB];
	_ =	sdelay $0x3  }
0x93: {  	_ =	strace s4  }
0x94: {  	s4 =	sld [smem:$0x3FFC];
	_ =	sdelay $0x3  }
0x95: {  	_ =	strace s4  }
0x96: {  	s4 =	sld [smem:$0x3FFD];
	_ =	sdelay $0x3  }
0x97: {  	_ =	strace s4  }
0x98: {  	_ =	strace $0x8FFFFFFF  }
0x99: {  	s19 =	sld [smem:$0x3FDB];
	_ =	sdelay $0x1  }
0x9a: {  	s5 =	simm.s32 $_scs_section_size  }
0x9b: {  	s6 =	simm.s32 $_size__tile_overlayer_lowered;
	s7 =	simm.s32 $_tile_overlayer_lowered  }
0x9c: {  	s22 =	simm.s32 $0x1BFF;
	s21 =	sshll.u32 s7, $0x1;
	s4 =	sadd.s32 s5, s19  }
0x9d: {  	s8 =	simm.s32 $0x0;
	s20 =	sshll.u32 s6, $0x1;
	s6 =	sadd.s32 s21, s4  }
0x9e: {  	[timem:s8], [sflag:s22] =	dma.local [hbm:s6], s20  }
0x9f: {  	_ =	swait.ge [sflag:s22], s20  }
0xa0: {  	s5 =	ssub.s32 $0x0, s20;
	[sflag:s22] =	ssyncset.done $0x0  }
0xa1: {  	[sflag:s22] =	ssyncadd.s32 s5;
	_ =	sdelay $0x1  }
0xa2: {  	s23 =	simm.s32 $0x1B8B  }
0xa3: {  	_ =	swait.ge [sflag:s23], $0x1  }
0xa4: {  	[sflag:s23] =	ssyncset.done $0x0  }
0xa5: {  	s25 =	simm.s32 $0x1B8E;
	s24 =	sld [smem:$0x3FFE];
	[sflag:s23] =	ssyncadd.s32 $0xFFFFFFFF  }
0xa6: {  	s26 =	simm.s32 $execute0_lowered;
	[smem:$0x3FD2] =	sst s25  }
0xa7: {  	s6 =	sshll.u32 s26, $0x1;
	_ =	strace $0x80000046;
	[dreg:$0x1] =	wrdreg $0xFFFFFFFF  }
0xa8: {  	s28 =	simm.s32 $_size_execute0_lowered;
	s4 =	sadd.s32 s4, s6;
	[dreg:$0x0] =	wrdreg $0x0  }
0xa9: {  	s6 =	sshll.u32 s28, $0x1;
	[dreg:$0x2] =	wrdreg s4  }
0xaa: {  	[dreg:$0x3] =	wrdreg s6  }
0xab: {  	[dreg:$0x4] =	wrdreg $0xC0  }
0xac: {  	_ =	task [dreg:s8], $0x5FFFF  }
0xad: {  	[dreg:$0x1] =	wrdreg $0xFFFFFFFF  }
0xae: {  	[dreg:$0x0] =	wrdreg $0x60  }
0xaf: {  	[dreg:$0x2] =	wrdreg s24  }
0xb0: {  	[dreg:$0x3] =	wrdreg s2  }
0xb1: {  	[dreg:$0x4] =	wrdreg s18  }
0xb2: {  	[dreg:$0x5] =	wrdreg $0xE0000  }
0xb3: {  	[dreg:$0x6] =	wrdreg $0xA  }
0xb4: {  	_ =	task.clear_ibuf [dreg:s8], $0x7FFFF;
	_ =	strace $0x90000046  }
0xb5: {  	s29 =	simm.s32 $0xA;
	_ =	strace $0x80000048  }
0xb6: {  	_ =	swait.ge [sflag:s29], $0x1  }
0xb7: {  	[sflag:s29] =	ssyncadd.s32 $0xFFFFFFFF  }
0xb8: {  	_ =	strace $0x90000048  }
0xb9: {  	_ =	sfence  }
0xba: {  	s30 =	sld [smem:$0x0];
	_ =	sdelay $0x2  }
0xbb: {  	s31 =	sshll.u32 s1, $0xD;
	s1 =	sshrl.u32 s1, $0x2  }
0xbc: {  	s3 =	sand.u32 $0x4000, s31;
	s1 =	sadd.s32 s1, s30  }
0xbd: {  	s0 =	sor.u32 s3, s0;
	s1 =	sshll.u32 s1, $0x11  }
0xbe: {  	s0 =	sor.u32 s1, s0  }
0xbf: {  	s0 =	sadd.s32 $0x8F2B, s0  }
0xc0: {  	[sflag:s0] =	ssyncadd.remote.s32 $0x1  }
0xc1: {  	_ =	sfence.sel $0xFFFF  }
0xc2: {  	[dreg:$0x0] =	wrdreg $0xFFFFFFFF;
	(pc) =	sbr.abs _section_cstart, $3  }
0xc3: {  	[dreg:$0x1] =	wrdreg $0xFFFFFFFF  }
0xc4: {  	_ =	task.clear_ibuf [dreg:s8], $0x2FFFF;
	_ =	strace $0x9FFFFFFF  }
0xc5: {  	(tm) =	ssettm $0x7FFFFFFF  }
tec
execute0_lowered:
.L_overlay_start_1:
0x0: {  	(tag) =	ssettag $0x1  }
0x1: {  	s4 =	rddreg [dreg:$0x0]  }
0x2: {  	s15 =	rddreg [dreg:$0x1]  }
0x3: {  	s13 =	rddreg [dreg:$0x2]  }
0x4: {  	s0 =	srdreg.scid;
	s2 =	rddreg [dreg:$0x3]  }
0x5: {  	s1 =	rddreg [dreg:$0x4];
	s5 =	sand.u32 $0x1, s0  }
0x6: {  	s3 =	simm.s32 $0x0;
	s0 =	stileid.u32;
	s6 =	smul.u32 $0x27100, s5  }
0x7: {  	s21 =	simm.s32 $0x50;
	s22 =	simm.s32 $0xC000;
	s7 =	smul.u32 $0x2710, s0  }
0x8: {  	[smem:$0x7FF] =	sst s3;
	s23 =	ssub.s32 $0x2, s5;
	s8 =	smul.u32 $0x9C40, s0  }
0x9: {  	_ =	strace $0x80000047;
	s12 =	smul.u32 $0x9C400, s5;
	s9 =	sshrl.u32 s23, $0x1  }
0xa: {  	s14 =	sadd.s32 s7, s6;
	s17 =	ssub.s32 s23, s9;
	s24 =	sadd.s32 $0x1F40, s8  }
0xb: {  	s10 =	sadd.s32 $0x3E80, s8;
	s11 =	sadd.s32 $0x5DC0, s8;
	s18 =	sadd.s32 $0x7D00, s8  }
0xc: {  	s19 =	sadd.s32 s8, s12;
	s23 =	simm.s32 $0x4;
	s6 =	sadd.s32 $0x4E200, s14  }
0xd: {  	s5 =	sadd.s32 s24, s2;
	s7 =	sadd.s32 s11, s2;
	s19 =	sshrl.u32 s19, $0x3  }
0xe: {  	s20 =	sadd.s32 s12, s24;
	s26 =	sadd.s32 s12, s10;
	s29 =	sadd.s32 s12, s11  }
0xf: {  	s31 =	sshrl.u32 s14, $0x3;
	s14 =	smax.u32 s17, $0x1;
	s17 =	simm.s32 $0xC080  }
0x10: {  	s24 =	simm.s32 $0x0;
	s6 =	sshrl.u32 s6, $0x3;
	s9 =	sadd.s32 s13, s19  }
0x11: {  	s25 =	sshrl.u32 s20, $0x3;
	s28 =	sshrl.u32 s26, $0x3;
	s30 =	sshrl.u32 s29, $0x3  }
0x12: {  	s15 =	sadd.s32 s31, s15;
	s19 =	simm.s32 $0x3;
	s20 =	simm.s32 $0x1  }
0x13: {  	s16 =	sadd.s32 s6, s4;
	s4 =	sadd.s32 s8, s2;
	s6 =	sadd.s32 s10, s2  }
0x14: {  	s8 =	sadd.s32 s18, s2;
	s10 =	sadd.s32 s13, s25;
	s18 =	sadd.s32 s12, s18  }
0x15: {  	s11 =	sadd.s32 s13, s28;
	s12 =	sadd.s32 s13, s30;
	s18 =	sshrl.u32 s18, $0x3  }
0x16: {  	v0 =	vimm.f32 $1.000000000e+00;
	v1 =	vimm.f32 $0.0e+00;
	s16 =	sadd.s32 $0x1C00, s16;
	s13 =	sadd.s32 s13, s18;
	s18 =	simm.s32 $0x2  }
.LBB2_1:
0x17: {  	[tilespmem:$0xC000] =	vst v0  }
0x18: {  	[tilespmem:$0xC010] =	vst v0  }
0x19: {  	[tilespmem:$0xC020] =	vst v0  }
0x1a: {  	[tilespmem:$0xC030] =	vst v0  }
0x1b: {  	[tilespmem:$0xC040] =	vst v0;
	s25 =	simm.s32 $0x40;
	s26 =	simm.s32 $0x0  }
.LBB2_2:
0x1c: {  	p0 =	sne.s32 s25, $0x7CC0;
	[tilespmem:s26+$0xC080] =	vst v1;
	s26 =	smov.u32 s25;
	s25 =	sadd.s32 $0x40, s25  }
.Ltmp0:
0x1d: {  	(pc) =	sbr.rel @p0 .LBB2_2-.Ltmp0, $2  }
0x1e: {  	_ =	sdelay $0x2  }
0x1f: {  	s26 =	sshra.s32 s26, $0x2  }
0x20: {  	[tilespmem:s26+$0xC080] =	vst v1  }
0x21: {  	[spmem:s4] =	stream.linear.scatter [tilespmem:s17], [sflag:$0x1], $0x1F40, $0x38;
	[tilespmem:$0x17C40] =	vst v63  }
0x22: {  	_ = 	snop  }
0x23: {  	[spmem:s5] =	stream.linear.scatter [tilespmem:s17], [sflag:$0x1], $0x1F40, $0x38;
	[tilespmem:$0x17C40] =	vst v63  }
0x24: {  	_ = 	snop  }
0x25: {  	[spmem:s6] =	stream.linear.scatter [tilespmem:s17], [sflag:$0x1], $0x1F40, $0x38;
	[tilespmem:$0x17C40] =	vst v63  }
0x26: {  	_ = 	snop  }
0x27: {  	[spmem:s7] =	stream.linear.scatter [tilespmem:s17], [sflag:$0x1], $0x1F40, $0x38;
	[tilespmem:$0x17C40] =	vst v63  }
0x28: {  	_ = 	snop  }
0x29: {  	[spmem:s8] =	stream.linear.scatter [tilespmem:s17], [sflag:$0x1], $0x1F40, $0x38;
	[tilespmem:$0x17C40] =	vst v63  }
0x2a: {  	s25 =	simm.s32 $0x0;
	s30 =	sadd.s32 $0x0, s16;
	s31 =	sadd.s32 $0x0, s15  }
0x2b: {  	[tilespmem:s25], [sflag:$0x2] =	stream.linear.gather [hbm4b:s30+s3], $0x50, $0x38;
	[tilespmem:$0x17C40] =	vst v63  }
0x2c: {  	s26 =	simm.s32 $0xA;
	s28 =	simm.s32 $0x80;
	s25 =	simm.s32 $0x4000  }
0x2d: {  	[tilespmem:s25], [sflag:$0x3] =	stream.linear.gather [hbm4b:s31+s3], $0x50, $0x38;
	[tilespmem:$0x17C40] =	vst v63  }
.LBB2_4:
0x2e: {  	s29 =	sadd.s32 s26, s16  }
0x2f: {  	p0 =	sne.s32 s26, $0x4D8;
	s30 =	smov.u32 s26;
	s26 =	sadd.s32 $0xA, s26  }
0x30: {  	[tilespmem:s28], [sflag:$0x2] =	stream.linear.gather [hbm4b:s29+s3], $0x50, $0x38;
	[tilespmem:$0x17C40] =	vst v63  }
.Ltmp1:
0x31: {  	_ = 	snop;
	(pc) =	sbr.rel @p0 .LBB2_4-.Ltmp1, $4  }
0x32: {  	s25 =	sadd.s32 $0x80, s25;
	s29 =	sadd.s32 s30, s15  }
0x33: {  	[tilespmem:s25], [sflag:$0x3] =	stream.linear.gather [hbm4b:s29+s3], $0x50, $0x38;
	[tilespmem:$0x17C40] =	vst v63  }
0x34: {  	_ = 	snop  }
0x35: {  	s28 =	sadd.s32 $0x80, s28  }
0x36: {  	_ =	swait.ge [sflag:s18], $0x50  }
0x37: {  	[sflag:s18] =	ssyncset.done $0x0  }
0x38: {  	[sflag:s18] =	ssyncadd.s32 $0xFFFFFFB0  }
0x39: {  	_ =	swait.ge [sflag:s19], $0x50  }
0x3a: {  	s25 =	simm.s32 $0x7C;
	[sflag:s19] =	ssyncset.done $0x0  }
.LBB2_6:
0x3b: {  	p0 =	sne.s32 s25, $0x1;
	s25 =	sadd.s32 $0xFFFFFFFF, s25;
	[sflag:s19] =	ssyncadd.s32 $0xFFFFFFB0  }
.Ltmp2:
0x3c: {  	_ =	swait.ge [sflag:s18], $0x50;
	(pc) =	sbr.rel @p0 .LBB2_6-.Ltmp2, $4  }
0x3d: {  	[sflag:s18] =	ssyncset.done $0x0  }
0x3e: {  	[sflag:s18] =	ssyncadd.s32 $0xFFFFFFB0  }
0x3f: {  	_ =	swait.ge [sflag:s19], $0x50  }
0x40: {  	[sflag:s19] =	ssyncset.done $0x0  }
0x41: {  	[sflag:s19] =	ssyncadd.s32 $0xFFFFFFB0  }
0x42: {  	_ =	swait.ge [sflag:s20], $0x1F40  }
0x43: {  	[sflag:s20] =	ssyncset.done $0x0  }
0x44: {  	[sflag:s20] =	ssyncadd.s32 $0xFFFFE0C0  }
0x45: {  	_ =	swait.ge [sflag:s20], $0x1F40  }
0x46: {  	[sflag:s20] =	ssyncset.done $0x0  }
0x47: {  	[sflag:s20] =	ssyncadd.s32 $0xFFFFE0C0  }
0x48: {  	_ =	swait.ge [sflag:s20], $0x1F40  }
0x49: {  	[sflag:s20] =	ssyncset.done $0x0  }
0x4a: {  	[sflag:s20] =	ssyncadd.s32 $0xFFFFE0C0  }
0x4b: {  	_ =	swait.ge [sflag:s20], $0x1F40  }
0x4c: {  	[sflag:s20] =	ssyncset.done $0x0  }
0x4d: {  	[sflag:s20] =	ssyncadd.s32 $0xFFFFE0C0  }
0x4e: {  	_ =	swait.ge [sflag:s20], $0x1F40  }
0x4f: {  	[sflag:s20] =	ssyncset.done $0x0  }
0x50: {  	[sflag:s20] =	ssyncadd.s32 $0xFFFFE0C0  }
0x51: {  	s25 =	simm.s32 $0x0;
	[bflag:$0x0] =	sbarrier.arrive $0xFFFF  }
0x52: {  	v7 =	vld [tilespmem:s25+$0x0]  }
0x53: {  	v8 =	vld [tilespmem:s25+$0x10]  }
0x54: {  	v4 =	vld [tilespmem:s25+$0x20]  }
0x55: {  	v9 =	vld [tilespmem:s25+$0x4000]  }
0x56: {  	v5 =	vld [tilespmem:s25+$0x4010]  }
0x57: {  	v6 =	vld [tilespmem:s25+$0x30]  }
0x58: {  	v3 =	vld [tilespmem:s25+$0x4020]  }
0x59: {  	s26 =	simm.s32 $0x200;
	v2 =	vld [tilespmem:s25+$0x4030]  }
.LBB2_8:
0x5a: {  	p0 =	sne.s32 s26, $0xF800;
	vm0 =	vgt.s32 v9, $0x0;
	v7 =	vshll.u32 v7, $0x6;
	v8 =	vshll.u32 v8, $0x6;
	v10 =	vld [tilespmem:s25+$0x4040]  }
0x5b: {  	v4 =	vshll.u32 v4, $0x6;
	v9 =	vnsel vm0, $0x0, v9;
	vm0 =	vgt.s32 v5, $0x0  }
0x5c: {  	v9 =	vmin.u32 v9, $0x3F;
	v5 =	vnsel vm0, $0x0, v5;
	v6 =	vshll.u32 v6, $0x6;
	v11 =	vld [tilespmem:s25+$0x40]  }
0x5d: {  	v7 =	vor.u32 v7, v9;
	v5 =	vmin.u32 v5, $0x3F;
	vm0 =	vgt.s32 v3, $0x0  }
0x5e: {  	v5 =	vor.u32 v8, v5;
	v3 =	vnsel vm0, $0x0, v3;
	vm0 =	vgt.s32 v2, $0x0  }
0x5f: {  	[tilespmem:s25+$0x8000] =	vst v7;
	v3 =	vmin.u32 v3, $0x3F;
	v2 =	vnsel vm0, $0x0, v2;
	vm0 =	vgt.s32 v10, $0x0  }
0x60: {  	[tilespmem:s25+$0x8010] =	vst v5;
	v3 =	vor.u32 v4, v3;
	v2 =	vmin.u32 v2, $0x3F;
	v4 =	vnsel vm0, $0x0, v10  }
0x61: {  	[tilespmem:s25+$0x8020] =	vst v3;
	v2 =	vor.u32 v6, v2;
	v3 =	vmin.u32 v4, $0x3F;
	v4 =	vshll.u32 v11, $0x6  }
0x62: {  	s28 =	sshra.s32 s26, $0x2;
	s29 =	sadd.s32 $0x8000, s25;
	[tilespmem:s25+$0x8030] =	vst v2;
	v2 =	vor.u32 v4, v3  }
0x63: {  	[tilespmem:s25+$0x8040] =	vst v2;
	[spmem:s2] =	stream.indirect.scatter.add.f32 [tilespmem:s22], [sflag:$0x1], $0x1, s29, s21, $0xb8  }
0x64: {  	s25 =	smov.u32 s28;
	v7 =	vld [tilespmem:s28+$0x0]  }
0x65: {  	v8 =	vld [tilespmem:s25+$0x10]  }
0x66: {  	v4 =	vld [tilespmem:s25+$0x20]  }
.Ltmp3:
0x67: {  	v9 =	vld [tilespmem:s25+$0x4000];
	(pc) =	sbr.rel @p0 .LBB2_8-.Ltmp3, $4  }
0x68: {  	v5 =	vld [tilespmem:s25+$0x4010]  }
0x69: {  	v6 =	vld [tilespmem:s25+$0x30]  }
0x6a: {  	v3 =	vld [tilespmem:s25+$0x4020]  }
0x6b: {  	s26 =	sadd.s32 $0x200, s26;
	v2 =	vld [tilespmem:s25+$0x4030]  }
0x6c: {  	vm0 =	vgt.s32 v9, $0x0;
	v7 =	vshll.u32 v7, $0x6;
	v8 =	vshll.u32 v8, $0x6;
	v10 =	vld [tilespmem:s25+$0x4040]  }
0x6d: {  	v4 =	vshll.u32 v4, $0x6;
	v9 =	vnsel vm0, $0x0, v9;
	vm12 =	vgt.s32 v5, $0x0  }
0x6e: {  	v11 =	vld [tilespmem:s25+$0x40];
	v9 =	vmin.u32 v9, $0x3F;
	v5 =	vnsel vm12, $0x0, v5;
	v6 =	vshll.u32 v6, $0x6  }
0x6f: {  	v7 =	vor.u32 v7, v9;
	v5 =	vmin.u32 v5, $0x3F;
	vm13 =	vgt.s32 v3, $0x0  }
0x70: {  	v5 =	vor.u32 v8, v5;
	v3 =	vnsel vm13, $0x0, v3;
	vm14 =	vgt.s32 v2, $0x0  }
0x71: {  	[tilespmem:s25+$0x8000] =	vst v7;
	v3 =	vmin.u32 v3, $0x3F;
	v2 =	vnsel vm14, $0x0, v2;
	vm15 =	vgt.s32 v10, $0x0  }
0x72: {  	[tilespmem:s25+$0x8010] =	vst v5;
	v3 =	vor.u32 v4, v3;
	v2 =	vmin.u32 v2, $0x3F;
	v62 =	vnsel vm15, $0x0, v10  }
0x73: {  	v63 =	vshll.u32 v11, $0x6;
	[tilespmem:s25+$0x8020] =	vst v3;
	v2 =	vor.u32 v6, v2;
	v3 =	vmin.u32 v62, $0x3F  }
0x74: {  	[tilespmem:s25+$0x8030] =	vst v2;
	v2 =	vor.u32 v63, v3  }
0x75: {  	s26 =	sadd.s32 $0x8000, s25;
	[tilespmem:s25+$0x8040] =	vst v2  }
0x76: {  	[spmem:s2] =	stream.indirect.scatter.add.f32 [tilespmem:s22], [sflag:$0x1], $0x1, s26, s21, $0xb8;
	[tilespmem:$0x17C40] =	vst v63  }
0x77: {  	_ =	swait.ge [sflag:s20], $0x50  }
0x78: {  	s25 =	simm.s32 $0x7C;
	[sflag:s20] =	ssyncset.done $0x0  }
.LBB2_10:
0x79: {  	p0 =	sne.s32 s25, $0x1;
	s25 =	sadd.s32 $0xFFFFFFFF, s25;
	[sflag:s20] =	ssyncadd.s32 $0xFFFFFFB0  }
.Ltmp4:
0x7a: {  	(pc) =	sbr.rel @p0 .LBB2_10-.Ltmp4, $3  }
0x7b: {  	_ =	sdelay $0x1  }
0x7c: {  	_ =	swait.ge [sflag:s20], $0x50  }
0x7d: {  	[sflag:s20] =	ssyncset.done $0x0  }
0x7e: {  	[sflag:s20] =	ssyncadd.s32 $0xFFFFFFB0  }
0x7f: {  	[bflag:$0x0] =	sbarrier.arrive $0xFFFF  }
0x80: {  	[tilespmem:s17], [sflag:$0x4] =	stream.linear.gather [spmem:s4], $0x1F40, $0x38;
	[tilespmem:$0x17C40] =	vst v63  }
0x81: {  	_ =	swait.ge [sflag:s23], $0x1F40  }
0x82: {  	[sflag:s23] =	ssyncset.done $0x0  }
0x83: {  	[sflag:s23] =	ssyncadd.s32 $0xFFFFE0C0  }
0x84: {  	[hbm4b:s9+s3] =	stream.linear.scatter [tilespmem:s17], [sflag:$0x2], $0x1F40, $0x38;
	[tilespmem:$0x17C40] =	vst v63  }
0x85: {  	_ =	swait.ge [sflag:s18], $0x1F40  }
0x86: {  	[sflag:s18] =	ssyncset.done $0x0  }
0x87: {  	[sflag:s18] =	ssyncadd.s32 $0xFFFFE0C0  }
0x88: {  	[tilespmem:s17], [sflag:$0x4] =	stream.linear.gather [spmem:s5], $0x1F40, $0x38;
	[tilespmem:$0x17C40] =	vst v63  }
0x89: {  	_ =	swait.ge [sflag:s23], $0x1F40  }
0x8a: {  	[sflag:s23] =	ssyncset.done $0x0  }
0x8b: {  	[sflag:s23] =	ssyncadd.s32 $0xFFFFE0C0  }
0x8c: {  	[hbm4b:s10+s3] =	stream.linear.scatter [tilespmem:s17], [sflag:$0x2], $0x1F40, $0x38;
	[tilespmem:$0x17C40] =	vst v63  }
0x8d: {  	_ =	swait.ge [sflag:s18], $0x1F40  }
0x8e: {  	[sflag:s18] =	ssyncset.done $0x0  }
0x8f: {  	[sflag:s18] =	ssyncadd.s32 $0xFFFFE0C0  }
0x90: {  	[tilespmem:s17], [sflag:$0x4] =	stream.linear.gather [spmem:s6], $0x1F40, $0x38;
	[tilespmem:$0x17C40] =	vst v63  }
0x91: {  	_ =	swait.ge [sflag:s23], $0x1F40  }
0x92: {  	[sflag:s23] =	ssyncset.done $0x0  }
0x93: {  	[sflag:s23] =	ssyncadd.s32 $0xFFFFE0C0  }
0x94: {  	[hbm4b:s11+s3] =	stream.linear.scatter [tilespmem:s17], [sflag:$0x2], $0x1F40, $0x38;
	[tilespmem:$0x17C40] =	vst v63  }
0x95: {  	_ =	swait.ge [sflag:s18], $0x1F40  }
0x96: {  	[sflag:s18] =	ssyncset.done $0x0  }
0x97: {  	[sflag:s18] =	ssyncadd.s32 $0xFFFFE0C0  }
0x98: {  	[tilespmem:s17], [sflag:$0x4] =	stream.linear.gather [spmem:s7], $0x1F40, $0x38;
	[tilespmem:$0x17C40] =	vst v63  }
0x99: {  	_ =	swait.ge [sflag:s23], $0x1F40  }
0x9a: {  	[sflag:s23] =	ssyncset.done $0x0  }
0x9b: {  	[sflag:s23] =	ssyncadd.s32 $0xFFFFE0C0  }
0x9c: {  	[hbm4b:s12+s3] =	stream.linear.scatter [tilespmem:s17], [sflag:$0x2], $0x1F40, $0x38;
	[tilespmem:$0x17C40] =	vst v63  }
0x9d: {  	_ =	swait.ge [sflag:s18], $0x1F40  }
0x9e: {  	[sflag:s18] =	ssyncset.done $0x0  }
0x9f: {  	[sflag:s18] =	ssyncadd.s32 $0xFFFFE0C0  }
0xa0: {  	[tilespmem:s17], [sflag:$0x4] =	stream.linear.gather [spmem:s8], $0x1F40, $0x38;
	[tilespmem:$0x17C40] =	vst v63  }
0xa1: {  	s24 =	sadd.s32 $0x1, s24;
	_ =	swait.ge [sflag:s23], $0x1F40  }
0xa2: {  	p0 =	sne.s32 s24, s14;
	[sflag:s23] =	ssyncset.done $0x0  }
.Ltmp5:
0xa3: {  	[sflag:s23] =	ssyncadd.s32 $0xFFFFE0C0;
	(pc) =	sbr.rel @p0 .LBB2_1-.Ltmp5, $4  }
0xa4: {  	[hbm4b:s13+s3] =	stream.linear.scatter [tilespmem:s17], [sflag:$0x2], $0x1F40, $0x38;
	[tilespmem:$0x17C40] =	vst v63  }
0xa5: {  	_ =	swait.ge [sflag:s18], $0x1F40  }
0xa6: {  	[sflag:s18] =	ssyncset.done $0x0  }
0xa7: {  	[sflag:s18] =	ssyncadd.s32 $0xFFFFE0C0  }
0xa8: {  	_ =	sfence.sel $0x180000  }
0xa9: {  	[bflag:$0x0] =	sbarrier.arrive $0xFFFF  }
0xaa: {  	p0 =	sne.s32 s0, $0x0;
	_ =	strace $0x90000047  }
0xab: {  	s0 =	sadd.s32 @!p0 $0x100000, s1;
	[bflag:$0x2] =	sbarrier.arrive $0xFFFF  }
0xac: {  	[sflag:s0] =	ssyncadd.tile.s32 @!p0 $0x1;
	_ =	shalt  }
.Lfunc_end2:
_tile_overlayer_lowered:
.L_overlay_start_2:
0xad: {  	(tag) =	ssettag $0x2  }
0xae: {  	s0 =	rddreg [dreg:$0x0];
	s2 =	stileid.u32  }
0xaf: {  	s1 =	rddreg [dreg:$0x1];
	p0 =	sne.s32 s2, $0x0  }
0xb0: {  	s3 =	rddreg [dreg:$0x2];
	[bflag:$0x3] =	sbarrier.arrive $0xFFFF;
	s2 =	simm.s32 @!p0 $0x1C04  }
0xb1: {  	[timem:s3], [sflag:s2] =	dma.local @!p0 [hbm:s0], s1  }
0xb2: {  	s0 =	simm.s32 @!p0 $0x4  }
0xb3: {  	_ =	swait.ge @!p0 [sflag:s0], s1  }
0xb4: {  	s1 =	ssub.s32 @!p0 $0x0, s1;
	[sflag:s0] =	ssyncset.done @!p0 $0x0  }
0xb5: {  	[sflag:s0] =	ssyncadd.s32 @!p0 s1  }
0xb6: {  	[bflag:$0x3] =	sbarrier.arrive $0xFFFF  }
0xb7: {  	_ =	shalt  }

</sc_bundles>
